<compile_context>
chip_gen: v7x
topology: tpu7x:2x2x1
jax: 0.10.2.dev20260603
libtpu: 0.0.44.dev20260713+nightly
codegen_flags: <defaults>
</compile_context>

<pallas_src>
import functools

import jax
import jax.numpy as jnp
from jax import lax
from jax.experimental import pallas as pl
from jax.experimental.pallas import tpu as pltpu
from jax.experimental.pallas import tpu_sc as plsc

_NUM_EMB = 1024
_COMMIT = 0.25
_EPS = 1e-10

_NC = 2
_NS = 16
_L = 16


def _dist_argmin(x_b, cb, cbsq_row, xsq_row):
    xt = jnp.transpose(x_b, (1, 0))
    xsq = jnp.transpose(xsq_row, (1, 0))
    mm = lax.dot_general(xt, cb, (((1,), (1,)), ((), ())),
                         preferred_element_type=jnp.float32)
    dist = (xsq + cbsq_row) - 2.0 * mm

    min_d = jnp.min(dist, axis=1, keepdims=True)
    colsf = lax.broadcasted_iota(jnp.int32, dist.shape, 1).astype(jnp.float32)
    idxf = jnp.min(jnp.where(dist == min_d, colsf, float(_NUM_EMB)), axis=1)
    return min_d, idxf


def _onehot_hist(idxf, n_tok):
    rowsf_cm = lax.broadcasted_iota(
        jnp.int32, (_NUM_EMB, n_tok), 0).astype(jnp.float32)
    onehot_cm = (rowsf_cm == idxf[None, :]).astype(jnp.float32)
    ones_col = jnp.ones((n_tok, 1), jnp.float32)
    hist = jnp.dot(onehot_cm, ones_col,
                   preferred_element_type=jnp.float32)
    return onehot_cm, hist


def _half1_body(x_ref, cb_ref, cbsq_ref, xsq_ref, idx_ref, loss_ref, hist_ref):
    i = pl.program_id(0)

    @pl.when(i == 0)
    def _init():
        loss_ref[...] = jnp.zeros_like(loss_ref)
        hist_ref[...] = jnp.zeros_like(hist_ref)

    cb = cb_ref[...]
    cbsq_row = cbsq_ref[...]
    for j in range(x_ref.shape[0]):
        x_b = x_ref[j]
        min_d, idxf = _dist_argmin(x_b, cb, cbsq_row, xsq_ref[j])
        idx_ref[j, 0] = idxf.astype(jnp.int32)

        _, hist = _onehot_hist(idxf, x_b.shape[1])
        loss_ref[...] += jnp.sum(min_d, axis=0, keepdims=True)
        hist_ref[...] += hist


def _half2_body(x_ref, cb_ref, cbsq_ref, xsq_ref, lp_ref, hp_ref, out_ref,
                loss_ref, perp_ref, hist_ref):
    i = pl.program_id(0)
    nb = pl.num_programs(0)

    @pl.when(i == 0)
    def _init():
        loss_ref[...] = jnp.zeros_like(loss_ref)
        hist_ref[...] = jnp.zeros_like(hist_ref)
        perp_ref[...] = jnp.zeros_like(perp_ref)

    cb = cb_ref[...]
    cbsq_row = cbsq_ref[...]
    for j in range(x_ref.shape[0]):
        x_b = x_ref[j]
        min_d, idxf = _dist_argmin(x_b, cb, cbsq_row, xsq_ref[j])
        onehot_cm, hist = _onehot_hist(idxf, x_b.shape[1])
        out_ref[j] = lax.dot_general(cb, onehot_cm, (((0,), (0,)), ((), ())),
                                     preferred_element_type=jnp.float32)

        loss_ref[...] += jnp.sum(min_d, axis=0, keepdims=True)
        hist_ref[...] += hist

    @pl.when(i == nb - 1)
    def _final():
        bps = x_ref.shape[0]
        n_tok = jnp.float32(2 * nb * bps * x_ref.shape[2])
        total = n_tok * jnp.float32(x_ref.shape[1])
        loss_ref[...] = (1.0 + _COMMIT) * (loss_ref[...] + lp_ref[...]) / total
        p = (hist_ref[...] + hp_ref[...]) / n_tok
        ent = jnp.sum(p * jnp.log(p + _EPS), axis=0, keepdims=True)
        perp_ref[...] = jnp.exp(-ent)


def _tc_half1(x_full, codebook, cbsq_row, xsq3, bh, bps=4):
    _, c, n = x_full.shape
    return pl.pallas_call(
        _half1_body,
        grid=(bh // bps,),
        in_specs=[
            pl.BlockSpec((bps, c, n), lambda i: (i, 0, 0)),
            pl.BlockSpec((_NUM_EMB, c), lambda i: (0, 0)),
            pl.BlockSpec((1, _NUM_EMB), lambda i: (0, 0)),
            pl.BlockSpec((bps, 1, n), lambda i: (i, 0, 0)),
        ],
        out_specs=[
            pl.BlockSpec((bps, 1, n), lambda i: (i, 0, 0)),
            pl.BlockSpec((1, 1), lambda i: (0, 0)),
            pl.BlockSpec((_NUM_EMB, 1), lambda i: (0, 0)),
        ],
        out_shape=[
            jax.ShapeDtypeStruct((bh, 1, n), jnp.int32),
            jax.ShapeDtypeStruct((1, 1), jnp.float32),
            jax.ShapeDtypeStruct((_NUM_EMB, 1), jnp.float32),
        ],
    )(x_full, codebook, cbsq_row, xsq3)


def _tc_half2(x_full, codebook, cbsq_row, xsq3, loss_part, hist_part, bh, bps=4):
    _, c, n = x_full.shape
    nsteps = bh // bps
    return pl.pallas_call(
        _half2_body,
        grid=(nsteps,),
        in_specs=[
            pl.BlockSpec((bps, c, n), lambda i: (i + nsteps, 0, 0)),
            pl.BlockSpec((_NUM_EMB, c), lambda i: (0, 0)),
            pl.BlockSpec((1, _NUM_EMB), lambda i: (0, 0)),
            pl.BlockSpec((bps, 1, n), lambda i: (i + nsteps, 0, 0)),
            pl.BlockSpec((1, 1), lambda i: (0, 0)),
            pl.BlockSpec((_NUM_EMB, 1), lambda i: (0, 0)),
        ],
        out_specs=[
            pl.BlockSpec((bps, c, n), lambda i: (i, 0, 0)),
            pl.BlockSpec((1, 1), lambda i: (0, 0)),
            pl.BlockSpec((1, 1), lambda i: (0, 0)),
            pl.BlockSpec((_NUM_EMB, 1), lambda i: (0, 0)),
        ],
        out_shape=[
            jax.ShapeDtypeStruct((bh, c, n), jnp.float32),
            jax.ShapeDtypeStruct((1, 1), jnp.float32),
            jax.ShapeDtypeStruct((1, 1), jnp.float32),
            jax.ShapeDtypeStruct((_NUM_EMB, 1), jnp.float32),
        ],
    )(x_full, codebook, cbsq_row, xsq3, loss_part, hist_part)


def _make_sc_gather(bh, c, n):
    n_groups = n // _L
    mesh = plsc.VectorSubcoreMesh(core_axis_name="c", subcore_axis_name="s",
                                  num_cores=_NC, num_subcores=_NS)

    @functools.partial(
        pl.kernel,
        out_type=jax.ShapeDtypeStruct((2 * bh, c, n), jnp.float32),
        mesh=mesh,
        scratch_types=[
            pltpu.VMEM((n,), jnp.int32),
            pltpu.VMEM((c * _NUM_EMB,), jnp.float32),
            pltpu.VMEM((c, n), jnp.float32),
        ],
        compiler_params=pltpu.CompilerParams(needs_layout_passes=False),
    )
    def sc_gather(cbt_hbm, idx_hbm, out_hbm, idx_v, cbt_v, out_v):
        w = lax.axis_index("s") * _NC + lax.axis_index("c")

        @pl.when(w < bh)
        def _work():
            pltpu.sync_copy(idx_hbm.at[w, 0], idx_v)
            pltpu.sync_copy(cbt_hbm, cbt_v)

            def per_group(t0, carry):
                idx16 = idx_v[pl.ds(t0 * _L, _L)]

                @plsc.parallel_loop(0, c, 1, unroll=4)
                def per_channel(ch):
                    v = plsc.load_gather(
                        cbt_v.at[pl.ds(ch * _NUM_EMB, _NUM_EMB)], [idx16])
                    out_v[ch, pl.ds(t0 * _L, _L)] = v
                return carry

            lax.fori_loop(0, n_groups, per_group, 0)
            pltpu.sync_copy(out_v, out_hbm.at[w])

    return sc_gather


def kernel(inputs, codebook):
    b, c, n = inputs.shape
    bh = b // 2
    cbt_flat = jnp.transpose(codebook, (1, 0)).reshape(-1)

    cbsq_row = jnp.sum(codebook ** 2, axis=1)[None, :]
    flat = jnp.transpose(inputs, (0, 2, 1)).reshape(b * n, c)
    xsq3 = jnp.sum(flat ** 2, axis=1, keepdims=True).reshape(
        b, n, 1).transpose(0, 2, 1)
    idx1, loss1, hist1 = _tc_half1(inputs, codebook, cbsq_row, xsq3, bh)
    out_full = _make_sc_gather(bh, c, n)(cbt_flat, idx1)
    out2, loss, perp, _hist = _tc_half2(inputs, codebook, cbsq_row, xsq3,
                                        loss1, hist1, bh)
    out_q = lax.dynamic_update_slice(out_full, out2, (bh, 0, 0))
    return (loss[0, 0], out_q, perp[0, 0])

# --- scband reference (transcript-rebuilt; emitter-appended) ---
"""Pipeline reference for scband-vector-quantizer-13520557047943 (READ-ONLY COPY).

The authoritative reference and input builder live on the scoring server;
editing this copy changes nothing except your own understanding.
"""

import jax, jax.numpy as jnp
import numpy as np

NUM_EMBEDDINGS = 1024
EMBEDDING_DIM = 64
COMMITMENT_COST = 0.25
EPS = 1e-10


def setup_inputs(seed: int = 0) -> dict:
    key = jax.random.key(seed)
    k1, k2 = jax.random.split(key)
    inputs = jax.random.normal(k1, (32, EMBEDDING_DIM, 576), dtype=jnp.float32)
    codebook = jax.random.uniform(
        k2, (NUM_EMBEDDINGS, EMBEDDING_DIM), dtype=jnp.float32,
        minval=-1.0 / NUM_EMBEDDINGS, maxval=1.0 / NUM_EMBEDDINGS)
    return {"inputs": inputs, "codebook": codebook}


def reference(inputs, codebook):
    # inputs: (b, c, n) -> (b, n, c)
    x = jnp.transpose(inputs, (0, 2, 1))
    b, n, c = x.shape
    flat_input = x.reshape(b * n, c)
    # squared L2 distances to each codebook entry
    distances = (jnp.sum(flat_input ** 2, axis=1, keepdims=True)
                 + jnp.sum(codebook ** 2, axis=1)
                 - 2.0 * jnp.matmul(flat_input, codebook.T))
    encoding_indices = jnp.argmin(distances, axis=1)
    encodings = jax.nn.one_hot(encoding_indices, NUM_EMBEDDINGS, dtype=jnp.float32)
    quantized = jnp.matmul(encodings, codebook).reshape(b, n, c)
    e_latent_loss = jnp.mean((jax.lax.stop_gradient(quantized) - x) ** 2)
    q_latent_loss = jnp.mean((quantized - jax.lax.stop_gradient(x)) ** 2)
    loss = q_latent_loss + COMMITMENT_COST * e_latent_loss
    quantized_st = x + jax.lax.stop_gradient(quantized - x)
    avg_probs = jnp.mean(encodings, axis=0)
    perplexity = jnp.exp(-jnp.sum(avg_probs * jnp.log(avg_probs + EPS)))
    quantized_st = jnp.transpose(quantized_st, (0, 2, 1))
    return (loss, quantized_st, perplexity)

if __name__ == "__main__":
    import jax
    _d = setup_inputs()
    print(jax.jit(kernel)(*tuple(_d.values())))

</pallas_src>

<mosaic_0001>
#map = affine_map<(d0, d1) -> (0)>
#map1 = affine_map<(d0, d1) -> (0, 0, 0)>
module attributes {stable_mosaic.version = 14 : i64} {
  func.func @sc_gather(%arg0: i32, %arg1: i32, %arg2: memref<65536xf32, #tpu.memory_space<hbm>>, %arg3: memref<16x1x576xi32, #tpu.memory_space<hbm>>, %arg4: memref<32x64x576xf32, #tpu.memory_space<hbm>>, %arg5: memref<576xi32, #tpu.memory_space<vmem>>, %arg6: memref<65536xf32, #tpu.memory_space<vmem>>, %arg7: memref<64x576xf32, #tpu.memory_space<vmem>>) attributes {dimension_semantics = [#tpu.dimension_semantics<core_parallel>, #tpu.dimension_semantics<subcore_parallel>], iteration_bounds = array<i64: 2, 16>, scalar_prefetch = 0 : i64, scratch_operands = 3 : i64, tpu.core_type = #tpu.core_type<sc_vector_subcore>, window_params = [{transform_indices = #map}, {transform_indices = #map1}, {transform_indices = #map1}]} {
    %mul3A = arith.constant 2 : i32
    %mul3A_0 = arith.muli %arg1, %mul3A : i32
    %add3A = arith.addi %mul3A_0, %arg0 : i32
    %lt3A = arith.constant 16 : i32
    %lt3A_1 = arith.cmpi slt, %add3A, %lt3A : i32
    %convert_element_type3A = arith.extui %lt3A_1 : i1 to i32
    %cond3A = arith.constant 0 : i32
    %cond3A_2 = arith.cmpi ne, %convert_element_type3A, %cond3A : i32
    scf.if %cond3A_2 {
      %run_scoped3A = arith.constant 0 : i32
      "tpu.region"() ({
        %run_scoped3A_8 = tpu.sem_alloc : memref<!tpu.dma_semaphore, #tpu.memory_space<semaphore_mem>>
        %dma_start3A = arith.constant 0 : i32
        %dma_start3A_9 = tpu.memref_slice %arg3[%add3A, %run_scoped3A, %dma_start3A] : memref<16x1x576xi32, #tpu.memory_space<hbm>> -> memref<1x1x576xi32, #tpu.memory_space<hbm>>
        %dma_start3A_10 = tpu.memref_squeeze %dma_start3A_9 : memref<1x1x576xi32, #tpu.memory_space<hbm>> -> memref<576xi32, #tpu.memory_space<hbm>>
        %dma_start3A_11 = arith.constant 0 : i32
        %dma_start3A_12 = tpu.memref_slice %arg3[%add3A, %run_scoped3A, %dma_start3A_11] : memref<16x1x576xi32, #tpu.memory_space<hbm>> -> memref<1x1x576xi32, #tpu.memory_space<hbm>>
        %dma_start3A_13 = tpu.memref_squeeze %dma_start3A_12 : memref<1x1x576xi32, #tpu.memory_space<hbm>> -> memref<576xi32, #tpu.memory_space<hbm>>
        tpu.enqueue_dma source(%dma_start3A_13 : memref<576xi32, #tpu.memory_space<hbm>>) target(%arg5 : memref<576xi32, #tpu.memory_space<vmem>>) target_semaphore(%run_scoped3A_8 : memref<!tpu.dma_semaphore, #tpu.memory_space<semaphore_mem>>)
        %dma_wait3A = arith.constant 0 : i32
        %dma_wait3A_14 = tpu.memref_slice %arg3[%add3A, %run_scoped3A, %dma_wait3A] : memref<16x1x576xi32, #tpu.memory_space<hbm>> -> memref<1x1x576xi32, #tpu.memory_space<hbm>>
        %dma_wait3A_15 = tpu.memref_squeeze %dma_wait3A_14 : memref<1x1x576xi32, #tpu.memory_space<hbm>> -> memref<576xi32, #tpu.memory_space<hbm>>
        %dma_wait3A_16 = arith.constant 0 : i32
        %dma_wait3A_17 = tpu.memref_slice %arg3[%add3A, %run_scoped3A, %dma_wait3A_16] : memref<16x1x576xi32, #tpu.memory_space<hbm>> -> memref<1x1x576xi32, #tpu.memory_space<hbm>>
        %dma_wait3A_18 = tpu.memref_squeeze %dma_wait3A_17 : memref<1x1x576xi32, #tpu.memory_space<hbm>> -> memref<576xi32, #tpu.memory_space<hbm>>
        tpu.wait_dma2 semaphore(%run_scoped3A_8 : memref<!tpu.dma_semaphore, #tpu.memory_space<semaphore_mem>>) src(%dma_wait3A_18 : memref<576xi32, #tpu.memory_space<hbm>>) dst(%arg5 : memref<576xi32, #tpu.memory_space<vmem>>)
        tpu.yield
      }) : () -> ()
      "tpu.region"() ({
        %run_scoped3A_8 = tpu.sem_alloc : memref<!tpu.dma_semaphore, #tpu.memory_space<semaphore_mem>>
        tpu.enqueue_dma source(%arg2 : memref<65536xf32, #tpu.memory_space<hbm>>) target(%arg6 : memref<65536xf32, #tpu.memory_space<vmem>>) target_semaphore(%run_scoped3A_8 : memref<!tpu.dma_semaphore, #tpu.memory_space<semaphore_mem>>)
        tpu.wait_dma2 semaphore(%run_scoped3A_8 : memref<!tpu.dma_semaphore, #tpu.memory_space<semaphore_mem>>) src(%arg2 : memref<65536xf32, #tpu.memory_space<hbm>>) dst(%arg6 : memref<65536xf32, #tpu.memory_space<vmem>>)
        tpu.yield
      }) : () -> ()
      %scan3A = arith.constant 0 : i32
      %scan3A_3 = arith.constant 0 : i32
      %scan3A_4 = arith.constant 36 : i32
      %scan3A_5 = arith.addi %scan3A_3, %scan3A_4 : i32
      %scan3A_6 = arith.constant 1 : i32
      scf.for %scan3A_8 = %scan3A_3 to %scan3A_5 step %scan3A_6  : i32 {
        %mul3A_9 = arith.constant 16 : i32
        %mul3A_10 = arith.muli %scan3A_8, %mul3A_9 : i32
        %get3A = arith.index_cast %mul3A_10 : i32 to index
        %get3A_11 = tpu.vector_load %arg5[%get3A] {strides = array<i32>} : memref<576xi32, #tpu.memory_space<vmem>>, vector<16xi32>,
        %parallel_loop3A = arith.constant 0 : i32
        %parallel_loop3A_12 = arith.constant 64 : i32
        %parallel_loop3A_13 = arith.constant 1 : i32
        scf.for %parallel_loop3A_14 = %parallel_loop3A to %parallel_loop3A_12 step %parallel_loop3A_13  : i32 {
          %parallel_loop3A_15 = arith.constant 1024 : i32
          %parallel_loop3A_16 = arith.muli %parallel_loop3A_14, %parallel_loop3A_15 : i32
          %parallel_loop3A_17 = tpu.memref_slice %arg6[%parallel_loop3A_16] : memref<65536xf32, #tpu.memory_space<vmem>> -> memref<1024xf32, #tpu.memory_space<vmem>>
          %parallel_loop3A_18 = tpu.vector_load_idx %parallel_loop3A_17[%get3A_11] : memref<1024xf32, #tpu.memory_space<vmem>>[vector<16xi32>], vector<16xf32>,
          %parallel_loop3A_19 = arith.constant 16 : i32
          %parallel_loop3A_20 = arith.muli %scan3A_8, %parallel_loop3A_19 : i32
          %parallel_loop3A_21 = arith.index_cast %parallel_loop3A_14 : i32 to index
          %parallel_loop3A_22 = arith.index_cast %parallel_loop3A_20 : i32 to index
          %parallel_loop3A_23 = tpu.vector_load %arg7[%parallel_loop3A_21, %parallel_loop3A_22] {strides = array<i32>} : memref<64x576xf32, #tpu.memory_space<vmem>>, vector<16xf32>,
          tpu.vector_store %arg7[%parallel_loop3A_21, %parallel_loop3A_22], %parallel_loop3A_18 {strides = array<i32>} : memref<64x576xf32, #tpu.memory_space<vmem>>, vector<16xf32>,
        } {sc.loop_unroll_factor = 4 : i64, sc.parallel_access}
      }
      %scan3A_7 = arith.constant 36 : i32
      "tpu.region"() ({
        %run_scoped3A_8 = tpu.sem_alloc : memref<!tpu.dma_semaphore, #tpu.memory_space<semaphore_mem>>
        %dma_start3A = arith.constant 0 : i32
        %dma_start3A_9 = arith.constant 0 : i32
        %dma_start3A_10 = tpu.memref_slice %arg4[%add3A, %dma_start3A, %dma_start3A_9] : memref<32x64x576xf32, #tpu.memory_space<hbm>> -> memref<1x64x576xf32, #tpu.memory_space<hbm>>
        %dma_start3A_11 = tpu.memref_squeeze %dma_start3A_10 : memref<1x64x576xf32, #tpu.memory_space<hbm>> -> memref<64x576xf32, #tpu.memory_space<hbm>>
        %dma_start3A_12 = arith.constant 0 : i32
        %dma_start3A_13 = arith.constant 0 : i32
        %dma_start3A_14 = tpu.memref_slice %arg4[%add3A, %dma_start3A_12, %dma_start3A_13] : memref<32x64x576xf32, #tpu.memory_space<hbm>> -> memref<1x64x576xf32, #tpu.memory_space<hbm>>
        %dma_start3A_15 = tpu.memref_squeeze %dma_start3A_14 : memref<1x64x576xf32, #tpu.memory_space<hbm>> -> memref<64x576xf32, #tpu.memory_space<hbm>>
        tpu.enqueue_dma source(%arg7 : memref<64x576xf32, #tpu.memory_space<vmem>>) target(%dma_start3A_15 : memref<64x576xf32, #tpu.memory_space<hbm>>) target_semaphore(%run_scoped3A_8 : memref<!tpu.dma_semaphore, #tpu.memory_space<semaphore_mem>>)
        %dma_wait3A = arith.constant 0 : i32
        %dma_wait3A_16 = arith.constant 0 : i32
        %dma_wait3A_17 = tpu.memref_slice %arg4[%add3A, %dma_wait3A, %dma_wait3A_16] : memref<32x64x576xf32, #tpu.memory_space<hbm>> -> memref<1x64x576xf32, #tpu.memory_space<hbm>>
        %dma_wait3A_18 = tpu.memref_squeeze %dma_wait3A_17 : memref<1x64x576xf32, #tpu.memory_space<hbm>> -> memref<64x576xf32, #tpu.memory_space<hbm>>
        %dma_wait3A_19 = arith.constant 0 : i32
        %dma_wait3A_20 = arith.constant 0 : i32
        %dma_wait3A_21 = tpu.memref_slice %arg4[%add3A, %dma_wait3A_19, %dma_wait3A_20] : memref<32x64x576xf32, #tpu.memory_space<hbm>> -> memref<1x64x576xf32, #tpu.memory_space<hbm>>
        %dma_wait3A_22 = tpu.memref_squeeze %dma_wait3A_21 : memref<1x64x576xf32, #tpu.memory_space<hbm>> -> memref<64x576xf32, #tpu.memory_space<hbm>>
        tpu.wait_dma2 semaphore(%run_scoped3A_8 : memref<!tpu.dma_semaphore, #tpu.memory_space<semaphore_mem>>) src(%arg7 : memref<64x576xf32, #tpu.memory_space<vmem>>) dst(%dma_wait3A_22 : memref<64x576xf32, #tpu.memory_space<hbm>>)
        tpu.yield
      }) : () -> ()
    } else {
    }
    return
  }
}

module attributes {stable_mosaic.version = 14 : i64} {
  func.func @_half1_body(%arg0: i32, %arg1: memref<4x64x576xf32, #tpu.memory_space<vmem>>, %arg2: memref<1024x64xf32, #tpu.memory_space<vmem>>, %arg3: memref<1x1024xf32, #tpu.memory_space<vmem>>, %arg4: memref<4x1x576xf32, #tpu.memory_space<vmem>>, %arg5: memref<4x1x576xi32, #tpu.memory_space<vmem>>, %arg6: memref<1x1xf32, #tpu.memory_space<vmem>>, %arg7: memref<1024x1xf32, #tpu.memory_space<vmem>>) attributes {dimension_semantics = [#tpu.dimension_semantics<arbitrary>], iteration_bounds = array<i64: 4>, scalar_prefetch = 0 : i64, scratch_operands = 0 : i64, tpu.core_type = #tpu.core_type<tc>, window_params = [{transform_indices = @transform_0, window_bounds = array<i64: 4, 64, 576>}, {pipeline_mode = #tpu.pipeline_mode<synchronous>, transform_indices = @transform_1, window_bounds = array<i64: 1024, 64>}, {pipeline_mode = #tpu.pipeline_mode<synchronous>, transform_indices = @transform_2, window_bounds = array<i64: 1, 1024>}, {transform_indices = @transform_3, window_bounds = array<i64: 4, 1, 576>}, {transform_indices = @transform_4, window_bounds = array<i64: 4, 1, 576>}, {pipeline_mode = #tpu.pipeline_mode<synchronous>, transform_indices = @transform_5, window_bounds = array<i64: 1, 1>}, {pipeline_mode = #tpu.pipeline_mode<synchronous>, transform_indices = @transform_6, window_bounds = array<i64: 1024, 1>}]} {
    %eq3A = arith.constant 0 : i32
    %eq3A_0 = arith.cmpi eq, %arg0, %eq3A : i32
    %convert_element_type3A = arith.extui %eq3A_0 : i1 to i32
    %cond3A = arith.constant 0 : i32
    %cond3A_1 = arith.cmpi ne, %convert_element_type3A, %cond3A : i32
    scf.if %cond3A_1 {
      %broadcast_in_dim3A_267 = arith.constant 0.000000e+00 : f32
      %broadcast_in_dim3A_268 = vector.broadcast %broadcast_in_dim3A_267 : f32 to vector<1x1xf32>
      %swap3A_269 = arith.constant 0 : index
      %swap3A_270 = arith.constant 0 : index
      %swap3A_271 = vector.load %arg6[%swap3A_269, %swap3A_270] : memref<1x1xf32, #tpu.memory_space<vmem>>, vector<1x1xf32>
      tpu.vector_store %arg6[%swap3A_269, %swap3A_270], %broadcast_in_dim3A_268 {strides = array<i32>} : memref<1x1xf32, #tpu.memory_space<vmem>>, vector<1x1xf32>,
      %broadcast_in_dim3A_272 = arith.constant 0.000000e+00 : f32
      %broadcast_in_dim3A_273 = vector.broadcast %broadcast_in_dim3A_272 : f32 to vector<1024x1xf32>
      %swap3A_274 = arith.constant 0 : index
      %swap3A_275 = arith.constant 0 : index
      %swap3A_276 = vector.load %arg7[%swap3A_274, %swap3A_275] : memref<1024x1xf32, #tpu.memory_space<vmem>>, vector<1024x1xf32>
      tpu.vector_store %arg7[%swap3A_274, %swap3A_275], %broadcast_in_dim3A_273 {strides = array<i32>} : memref<1024x1xf32, #tpu.memory_space<vmem>>, vector<1024x1xf32>,
    } else {
    }
    %get3A = arith.constant 0 : index
    %get3A_2 = arith.constant 0 : index
    %get3A_3 = vector.load %arg2[%get3A, %get3A_2] : memref<1024x64xf32, #tpu.memory_space<vmem>>, vector<1024x64xf32>
    %get3A_4 = arith.constant 0 : index
    %get3A_5 = arith.constant 0 : index
    %get3A_6 = vector.load %arg3[%get3A_4, %get3A_5] : memref<1x1024xf32, #tpu.memory_space<vmem>>, vector<1x1024xf32>
    %get3A_7 = arith.constant 0 : index
    %get3A_8 = arith.constant 0 : index
    %get3A_9 = arith.constant 0 : index
    %get3A_10 = vector.load %arg1[%get3A_7, %get3A_8, %get3A_9] : memref<4x64x576xf32, #tpu.memory_space<vmem>>, vector<1x64x576xf32>
    %get3A_11 = vector.shape_cast %get3A_10 : vector<1x64x576xf32> to vector<64x576xf32>
    %get3A_12 = arith.constant 0 : index
    %get3A_13 = arith.constant 0 : index
    %get3A_14 = arith.constant 0 : index
    %get3A_15 = vector.load %arg4[%get3A_12, %get3A_13, %get3A_14] : memref<4x1x576xf32, #tpu.memory_space<vmem>>, vector<1x1x576xf32>
    %get3A_16 = vector.shape_cast %get3A_15 : vector<1x1x576xf32> to vector<1x576xf32>
    %transpose3A = tpu.transpose %get3A_11, [1, 0] : vector<64x576xf32> -> vector<576x64xf32>
    %transpose3A_17 = tpu.transpose %get3A_16, [1, 0] : vector<1x576xf32> -> vector<576x1xf32>
    %dot_general3A = arith.constant dense<0.000000e+00> : vector<576x1024xf32>
    %dot_general3A_18 = tpu.matmul %transpose3A, %get3A_3, %dot_general3A {dimension_numbers = #tpu.dot_dimension_numbers<[1], [1], [0], [0], [0, 0, 1, 0], [], []>, transpose_lhs_hint = false} : vector<576x64xf32>, vector<1024x64xf32>, vector<576x1024xf32> -> vector<576x1024xf32>
    %add3A = vector.broadcast %transpose3A_17 : vector<576x1xf32> to vector<576x1024xf32>
    %add3A_19 = vector.broadcast %get3A_6 : vector<1x1024xf32> to vector<576x1024xf32>
    %add3A_20 = arith.addf %add3A, %add3A_19 : vector<576x1024xf32>
    %mul3A = arith.constant 2.000000e+00 : f32
    %mul3A_21 = vector.broadcast %mul3A : f32 to vector<576x1024xf32>
    %mul3A_22 = arith.mulf %mul3A_21, %dot_general3A_18 : vector<576x1024xf32>
    %sub3A = arith.subf %add3A_20, %mul3A_22 : vector<576x1024xf32>
    %reduce_min3A = arith.constant dense<0x7F800000> : vector<576xf32>
    %reduce_min3A_23 = vector.multi_reduction <minimumf>, %sub3A, %reduce_min3A [1] : vector<576x1024xf32> to vector<576xf32>
    %broadcast_in_dim3A = vector.shape_cast %reduce_min3A_23 : vector<576xf32> to vector<576x1xf32>
    %iota3A = tpu.iota {dimensions = array<i32: 1>} : vector<576x1024xi32>
    %convert_element_type3A_24 = arith.sitofp %iota3A : vector<576x1024xi32> to vector<576x1024xf32>
    %eq3A_25 = vector.broadcast %broadcast_in_dim3A : vector<576x1xf32> to vector<576x1024xf32>
    %eq3A_26 = arith.cmpf oeq, %sub3A, %eq3A_25 : vector<576x1024xf32>
    %jit3A = arith.constant 1.024000e+03 : f32
    %broadcast_in_dim3A_27 = vector.broadcast %jit3A : f32 to vector<576x1024xf32>
    %select_n3A = arith.select %eq3A_26, %convert_element_type3A_24, %broadcast_in_dim3A_27 : vector<576x1024xi1>, vector<576x1024xf32>
    %reduce_min3A_28 = arith.constant dense<0x7F800000> : vector<576xf32>
    %reduce_min3A_29 = vector.multi_reduction <minimumf>, %select_n3A, %reduce_min3A_28 [1] : vector<576x1024xf32> to vector<576xf32>
    %convert_element_type3A_30 = arith.fptosi %reduce_min3A_29 : vector<576xf32> to vector<576xi32>
    %swap3A = arith.constant 0 : index
    %swap3A_31 = arith.constant 0 : index
    %swap3A_32 = arith.constant 0 : index
    %swap3A_33 = vector.load %arg5[%swap3A, %swap3A_31, %swap3A_32] : memref<4x1x576xi32, #tpu.memory_space<vmem>>, vector<1x1x576xi32>
    %swap3A_34 = vector.shape_cast %swap3A_33 : vector<1x1x576xi32> to vector<576xi32>
    %swap3A_35 = vector.shape_cast %convert_element_type3A_30 : vector<576xi32> to vector<1x1x576xi32>
    tpu.vector_store %arg5[%swap3A, %swap3A_31, %swap3A_32], %swap3A_35 {strides = array<i32>} : memref<4x1x576xi32, #tpu.memory_space<vmem>>, vector<1x1x576xi32>,
    %iota3A_36 = tpu.iota {dimensions = array<i32: 0>} : vector<1024x576xi32>
    %convert_element_type3A_37 = arith.sitofp %iota3A_36 : vector<1024x576xi32> to vector<1024x576xf32>
    %broadcast_in_dim3A_38 = vector.shape_cast %reduce_min3A_29 : vector<576xf32> to vector<1x576xf32>
    %eq3A_39 = vector.broadcast %broadcast_in_dim3A_38 : vector<1x576xf32> to vector<1024x576xf32>
    %eq3A_40 = arith.cmpf oeq, %convert_element_type3A_37, %eq3A_39 : vector<1024x576xf32>
    %convert_element_type3A_41 = arith.extui %eq3A_40 : vector<1024x576xi1> to vector<1024x576xi32>
    %convert_element_type3A_42 = arith.sitofp %convert_element_type3A_41 : vector<1024x576xi32> to vector<1024x576xf32>
    %broadcast_in_dim3A_43 = arith.constant 1.000000e+00 : f32
    %broadcast_in_dim3A_44 = vector.broadcast %broadcast_in_dim3A_43 : f32 to vector<576x1xf32>
    %dot_general3A_45 = arith.constant dense<0.000000e+00> : vector<1024x1xf32>
    %dot_general3A_46 = tpu.matmul %convert_element_type3A_42, %broadcast_in_dim3A_44, %dot_general3A_45 {dimension_numbers = #tpu.dot_dimension_numbers<[1], [0], [0], [1], [0, 0, 1, 1], [], []>, transpose_lhs_hint = false} : vector<1024x576xf32>, vector<576x1xf32>, vector<1024x1xf32> -> vector<1024x1xf32>
    %get3A_47 = arith.constant 0 : index
    %get3A_48 = arith.constant 0 : index
    %get3A_49 = vector.load %arg6[%get3A_47, %get3A_48] : memref<1x1xf32, #tpu.memory_space<vmem>>, vector<1x1xf32>
    %reduce_sum3A = arith.constant dense<0.000000e+00> : vector<1xf32>
    %reduce_sum3A_50 = vector.multi_reduction <add>, %broadcast_in_dim3A, %reduce_sum3A [0] : vector<576x1xf32> to vector<1xf32>
    %broadcast_in_dim3A_51 = vector.shape_cast %reduce_sum3A_50 : vector<1xf32> to vector<1x1xf32>
    %add3A_52 = arith.addf %get3A_49, %broadcast_in_dim3A_51 : vector<1x1xf32>
    %swap3A_53 = arith.constant 0 : index
    %swap3A_54 = arith.constant 0 : index
    %swap3A_55 = vector.load %arg6[%swap3A_53, %swap3A_54] : memref<1x1xf32, #tpu.memory_space<vmem>>, vector<1x1xf32>
    tpu.vector_store %arg6[%swap3A_53, %swap3A_54], %add3A_52 {strides = array<i32>} : memref<1x1xf32, #tpu.memory_space<vmem>>, vector<1x1xf32>,
    %get3A_56 = arith.constant 0 : index
    %get3A_57 = arith.constant 0 : index
    %get3A_58 = vector.load %arg7[%get3A_56, %get3A_57] : memref<1024x1xf32, #tpu.memory_space<vmem>>, vector<1024x1xf32>
    %add3A_59 = arith.addf %get3A_58, %dot_general3A_46 : vector<1024x1xf32>
    %swap3A_60 = arith.constant 0 : index
    %swap3A_61 = arith.constant 0 : index
    %swap3A_62 = vector.load %arg7[%swap3A_60, %swap3A_61] : memref<1024x1xf32, #tpu.memory_space<vmem>>, vector<1024x1xf32>
    tpu.vector_store %arg7[%swap3A_60, %swap3A_61], %add3A_59 {strides = array<i32>} : memref<1024x1xf32, #tpu.memory_space<vmem>>, vector<1024x1xf32>,
    %get3A_63 = arith.constant 1 : index
    %get3A_64 = arith.constant 0 : index
    %get3A_65 = arith.constant 0 : index
    %get3A_66 = vector.load %arg1[%get3A_63, %get3A_64, %get3A_65] : memref<4x64x576xf32, #tpu.memory_space<vmem>>, vector<1x64x576xf32>
    %get3A_67 = vector.shape_cast %get3A_66 : vector<1x64x576xf32> to vector<64x576xf32>
    %get3A_68 = arith.constant 1 : index
    %get3A_69 = arith.constant 0 : index
    %get3A_70 = arith.constant 0 : index
    %get3A_71 = vector.load %arg4[%get3A_68, %get3A_69, %get3A_70] : memref<4x1x576xf32, #tpu.memory_space<vmem>>, vector<1x1x576xf32>
    %get3A_72 = vector.shape_cast %get3A_71 : vector<1x1x576xf32> to vector<1x576xf32>
    %transpose3A_73 = tpu.transpose %get3A_67, [1, 0] : vector<64x576xf32> -> vector<576x64xf32>
    %transpose3A_74 = tpu.transpose %get3A_72, [1, 0] : vector<1x576xf32> -> vector<576x1xf32>
    %dot_general3A_75 = arith.constant dense<0.000000e+00> : vector<576x1024xf32>
    %dot_general3A_76 = tpu.matmul %transpose3A_73, %get3A_3, %dot_general3A_75 {dimension_numbers = #tpu.dot_dimension_numbers<[1], [1], [0], [0], [0, 0, 1, 0], [], []>, transpose_lhs_hint = false} : vector<576x64xf32>, vector<1024x64xf32>, vector<576x1024xf32> -> vector<576x1024xf32>
    %add3A_77 = vector.broadcast %transpose3A_74 : vector<576x1xf32> to vector<576x1024xf32>
    %add3A_78 = vector.broadcast %get3A_6 : vector<1x1024xf32> to vector<576x1024xf32>
    %add3A_79 = arith.addf %add3A_77, %add3A_78 : vector<576x1024xf32>
    %mul3A_80 = arith.constant 2.000000e+00 : f32
    %mul3A_81 = vector.broadcast %mul3A_80 : f32 to vector<576x1024xf32>
    %mul3A_82 = arith.mulf %mul3A_81, %dot_general3A_76 : vector<576x1024xf32>
    %sub3A_83 = arith.subf %add3A_79, %mul3A_82 : vector<576x1024xf32>
    %reduce_min3A_84 = arith.constant dense<0x7F800000> : vector<576xf32>
    %reduce_min3A_85 = vector.multi_reduction <minimumf>, %sub3A_83, %reduce_min3A_84 [1] : vector<576x1024xf32> to vector<576xf32>
    %broadcast_in_dim3A_86 = vector.shape_cast %reduce_min3A_85 : vector<576xf32> to vector<576x1xf32>
    %iota3A_87 = tpu.iota {dimensions = array<i32: 1>} : vector<576x1024xi32>
    %convert_element_type3A_88 = arith.sitofp %iota3A_87 : vector<576x1024xi32> to vector<576x1024xf32>
    %eq3A_89 = vector.broadcast %broadcast_in_dim3A_86 : vector<576x1xf32> to vector<576x1024xf32>
    %eq3A_90 = arith.cmpf oeq, %sub3A_83, %eq3A_89 : vector<576x1024xf32>
    %jit3A_91 = arith.constant 1.024000e+03 : f32
    %broadcast_in_dim3A_92 = vector.broadcast %jit3A_91 : f32 to vector<576x1024xf32>
    %select_n3A_93 = arith.select %eq3A_90, %convert_element_type3A_88, %broadcast_in_dim3A_92 : vector<576x1024xi1>, vector<576x1024xf32>
    %reduce_min3A_94 = arith.constant dense<0x7F800000> : vector<576xf32>
    %reduce_min3A_95 = vector.multi_reduction <minimumf>, %select_n3A_93, %reduce_min3A_94 [1] : vector<576x1024xf32> to vector<576xf32>
    %convert_element_type3A_96 = arith.fptosi %reduce_min3A_95 : vector<576xf32> to vector<576xi32>
    %swap3A_97 = arith.constant 1 : index
    %swap3A_98 = arith.constant 0 : index
    %swap3A_99 = arith.constant 0 : index
    %swap3A_100 = vector.load %arg5[%swap3A_97, %swap3A_98, %swap3A_99] : memref<4x1x576xi32, #tpu.memory_space<vmem>>, vector<1x1x576xi32>
    %swap3A_101 = vector.shape_cast %swap3A_100 : vector<1x1x576xi32> to vector<576xi32>
    %swap3A_102 = vector.shape_cast %convert_element_type3A_96 : vector<576xi32> to vector<1x1x576xi32>
    tpu.vector_store %arg5[%swap3A_97, %swap3A_98, %swap3A_99], %swap3A_102 {strides = array<i32>} : memref<4x1x576xi32, #tpu.memory_space<vmem>>, vector<1x1x576xi32>,
    %iota3A_103 = tpu.iota {dimensions = array<i32: 0>} : vector<1024x576xi32>
    %convert_element_type3A_104 = arith.sitofp %iota3A_103 : vector<1024x576xi32> to vector<1024x576xf32>
    %broadcast_in_dim3A_105 = vector.shape_cast %reduce_min3A_95 : vector<576xf32> to vector<1x576xf32>
    %eq3A_106 = vector.broadcast %broadcast_in_dim3A_105 : vector<1x576xf32> to vector<1024x576xf32>
    %eq3A_107 = arith.cmpf oeq, %convert_element_type3A_104, %eq3A_106 : vector<1024x576xf32>
    %convert_element_type3A_108 = arith.extui %eq3A_107 : vector<1024x576xi1> to vector<1024x576xi32>
    %convert_element_type3A_109 = arith.sitofp %convert_element_type3A_108 : vector<1024x576xi32> to vector<1024x576xf32>
    %broadcast_in_dim3A_110 = arith.constant 1.000000e+00 : f32
    %broadcast_in_dim3A_111 = vector.broadcast %broadcast_in_dim3A_110 : f32 to vector<576x1xf32>
    %dot_general3A_112 = arith.constant dense<0.000000e+00> : vector<1024x1xf32>
    %dot_general3A_113 = tpu.matmul %convert_element_type3A_109, %broadcast_in_dim3A_111, %dot_general3A_112 {dimension_numbers = #tpu.dot_dimension_numbers<[1], [0], [0], [1], [0, 0, 1, 1], [], []>, transpose_lhs_hint = false} : vector<1024x576xf32>, vector<576x1xf32>, vector<1024x1xf32> -> vector<1024x1xf32>
    %get3A_114 = arith.constant 0 : index
    %get3A_115 = arith.constant 0 : index
    %get3A_116 = vector.load %arg6[%get3A_114, %get3A_115] : memref<1x1xf32, #tpu.memory_space<vmem>>, vector<1x1xf32>
    %reduce_sum3A_117 = arith.constant dense<0.000000e+00> : vector<1xf32>
    %reduce_sum3A_118 = vector.multi_reduction <add>, %broadcast_in_dim3A_86, %reduce_sum3A_117 [0] : vector<576x1xf32> to vector<1xf32>
    %broadcast_in_dim3A_119 = vector.shape_cast %reduce_sum3A_118 : vector<1xf32> to vector<1x1xf32>
    %add3A_120 = arith.addf %get3A_116, %broadcast_in_dim3A_119 : vector<1x1xf32>
    %swap3A_121 = arith.constant 0 : index
    %swap3A_122 = arith.constant 0 : index
    %swap3A_123 = vector.load %arg6[%swap3A_121, %swap3A_122] : memref<1x1xf32, #tpu.memory_space<vmem>>, vector<1x1xf32>
    tpu.vector_store %arg6[%swap3A_121, %swap3A_122], %add3A_120 {strides = array<i32>} : memref<1x1xf32, #tpu.memory_space<vmem>>, vector<1x1xf32>,
    %get3A_124 = arith.constant 0 : index
    %get3A_125 = arith.constant 0 : index
    %get3A_126 = vector.load %arg7[%get3A_124, %get3A_125] : memref<1024x1xf32, #tpu.memory_space<vmem>>, vector<1024x1xf32>
    %add3A_127 = arith.addf %get3A_126, %dot_general3A_113 : vector<1024x1xf32>
    %swap3A_128 = arith.constant 0 : index
    %swap3A_129 = arith.constant 0 : index
    %swap3A_130 = vector.load %arg7[%swap3A_128, %swap3A_129] : memref<1024x1xf32, #tpu.memory_space<vmem>>, vector<1024x1xf32>
    tpu.vector_store %arg7[%swap3A_128, %swap3A_129], %add3A_127 {strides = array<i32>} : memref<1024x1xf32, #tpu.memory_space<vmem>>, vector<1024x1xf32>,
    %get3A_131 = arith.constant 2 : index
    %get3A_132 = arith.constant 0 : index
    %get3A_133 = arith.constant 0 : index
    %get3A_134 = vector.load %arg1[%get3A_131, %get3A_132, %get3A_133] : memref<4x64x576xf32, #tpu.memory_space<vmem>>, vector<1x64x576xf32>
    %get3A_135 = vector.shape_cast %get3A_134 : vector<1x64x576xf32> to vector<64x576xf32>
    %get3A_136 = arith.constant 2 : index
    %get3A_137 = arith.constant 0 : index
    %get3A_138 = arith.constant 0 : index
    %get3A_139 = vector.load %arg4[%get3A_136, %get3A_137, %get3A_138] : memref<4x1x576xf32, #tpu.memory_space<vmem>>, vector<1x1x576xf32>
    %get3A_140 = vector.shape_cast %get3A_139 : vector<1x1x576xf32> to vector<1x576xf32>
    %transpose3A_141 = tpu.transpose %get3A_135, [1, 0] : vector<64x576xf32> -> vector<576x64xf32>
    %transpose3A_142 = tpu.transpose %get3A_140, [1, 0] : vector<1x576xf32> -> vector<576x1xf32>
    %dot_general3A_143 = arith.constant dense<0.000000e+00> : vector<576x1024xf32>
    %dot_general3A_144 = tpu.matmul %transpose3A_141, %get3A_3, %dot_general3A_143 {dimension_numbers = #tpu.dot_dimension_numbers<[1], [1], [0], [0], [0, 0, 1, 0], [], []>, transpose_lhs_hint = false} : vector<576x64xf32>, vector<1024x64xf32>, vector<576x1024xf32> -> vector<576x1024xf32>
    %add3A_145 = vector.broadcast %transpose3A_142 : vector<576x1xf32> to vector<576x1024xf32>
    %add3A_146 = vector.broadcast %get3A_6 : vector<1x1024xf32> to vector<576x1024xf32>
    %add3A_147 = arith.addf %add3A_145, %add3A_146 : vector<576x1024xf32>
    %mul3A_148 = arith.constant 2.000000e+00 : f32
    %mul3A_149 = vector.broadcast %mul3A_148 : f32 to vector<576x1024xf32>
    %mul3A_150 = arith.mulf %mul3A_149, %dot_general3A_144 : vector<576x1024xf32>
    %sub3A_151 = arith.subf %add3A_147, %mul3A_150 : vector<576x1024xf32>
    %reduce_min3A_152 = arith.constant dense<0x7F800000> : vector<576xf32>
    %reduce_min3A_153 = vector.multi_reduction <minimumf>, %sub3A_151, %reduce_min3A_152 [1] : vector<576x1024xf32> to vector<576xf32>
    %broadcast_in_dim3A_154 = vector.shape_cast %reduce_min3A_153 : vector<576xf32> to vector<576x1xf32>
    %iota3A_155 = tpu.iota {dimensions = array<i32: 1>} : vector<576x1024xi32>
    %convert_element_type3A_156 = arith.sitofp %iota3A_155 : vector<576x1024xi32> to vector<576x1024xf32>
    %eq3A_157 = vector.broadcast %broadcast_in_dim3A_154 : vector<576x1xf32> to vector<576x1024xf32>
    %eq3A_158 = arith.cmpf oeq, %sub3A_151, %eq3A_157 : vector<576x1024xf32>
    %jit3A_159 = arith.constant 1.024000e+03 : f32
    %broadcast_in_dim3A_160 = vector.broadcast %jit3A_159 : f32 to vector<576x1024xf32>
    %select_n3A_161 = arith.select %eq3A_158, %convert_element_type3A_156, %broadcast_in_dim3A_160 : vector<576x1024xi1>, vector<576x1024xf32>
    %reduce_min3A_162 = arith.constant dense<0x7F800000> : vector<576xf32>
    %reduce_min3A_163 = vector.multi_reduction <minimumf>, %select_n3A_161, %reduce_min3A_162 [1] : vector<576x1024xf32> to vector<576xf32>
    %convert_element_type3A_164 = arith.fptosi %reduce_min3A_163 : vector<576xf32> to vector<576xi32>
    %swap3A_165 = arith.constant 2 : index
    %swap3A_166 = arith.constant 0 : index
    %swap3A_167 = arith.constant 0 : index
    %swap3A_168 = vector.load %arg5[%swap3A_165, %swap3A_166, %swap3A_167] : memref<4x1x576xi32, #tpu.memory_space<vmem>>, vector<1x1x576xi32>
    %swap3A_169 = vector.shape_cast %swap3A_168 : vector<1x1x576xi32> to vector<576xi32>
    %swap3A_170 = vector.shape_cast %convert_element_type3A_164 : vector<576xi32> to vector<1x1x576xi32>
    tpu.vector_store %arg5[%swap3A_165, %swap3A_166, %swap3A_167], %swap3A_170 {strides = array<i32>} : memref<4x1x576xi32, #tpu.memory_space<vmem>>, vector<1x1x576xi32>,
    %iota3A_171 = tpu.iota {dimensions = array<i32: 0>} : vector<1024x576xi32>
    %convert_element_type3A_172 = arith.sitofp %iota3A_171 : vector<1024x576xi32> to vector<1024x576xf32>
    %broadcast_in_dim3A_173 = vector.shape_cast %reduce_min3A_163 : vector<576xf32> to vector<1x576xf32>
    %eq3A_174 = vector.broadcast %broadcast_in_dim3A_173 : vector<1x576xf32> to vector<1024x576xf32>
    %eq3A_175 = arith.cmpf oeq, %convert_element_type3A_172, %eq3A_174 : vector<1024x576xf32>
    %convert_element_type3A_176 = arith.extui %eq3A_175 : vector<1024x576xi1> to vector<1024x576xi32>
    %convert_element_type3A_177 = arith.sitofp %convert_element_type3A_176 : vector<1024x576xi32> to vector<1024x576xf32>
    %broadcast_in_dim3A_178 = arith.constant 1.000000e+00 : f32
    %broadcast_in_dim3A_179 = vector.broadcast %broadcast_in_dim3A_178 : f32 to vector<576x1xf32>
    %dot_general3A_180 = arith.constant dense<0.000000e+00> : vector<1024x1xf32>
    %dot_general3A_181 = tpu.matmul %convert_element_type3A_177, %broadcast_in_dim3A_179, %dot_general3A_180 {dimension_numbers = #tpu.dot_dimension_numbers<[1], [0], [0], [1], [0, 0, 1, 1], [], []>, transpose_lhs_hint = false} : vector<1024x576xf32>, vector<576x1xf32>, vector<1024x1xf32> -> vector<1024x1xf32>
    %get3A_182 = arith.constant 0 : index
    %get3A_183 = arith.constant 0 : index
    %get3A_184 = vector.load %arg6[%get3A_182, %get3A_183] : memref<1x1xf32, #tpu.memory_space<vmem>>, vector<1x1xf32>
    %reduce_sum3A_185 = arith.constant dense<0.000000e+00> : vector<1xf32>
    %reduce_sum3A_186 = vector.multi_reduction <add>, %broadcast_in_dim3A_154, %reduce_sum3A_185 [0] : vector<576x1xf32> to vector<1xf32>
    %broadcast_in_dim3A_187 = vector.shape_cast %reduce_sum3A_186 : vector<1xf32> to vector<1x1xf32>
    %add3A_188 = arith.addf %get3A_184, %broadcast_in_dim3A_187 : vector<1x1xf32>
    %swap3A_189 = arith.constant 0 : index
    %swap3A_190 = arith.constant 0 : index
    %swap3A_191 = vector.load %arg6[%swap3A_189, %swap3A_190] : memref<1x1xf32, #tpu.memory_space<vmem>>, vector<1x1xf32>
    tpu.vector_store %arg6[%swap3A_189, %swap3A_190], %add3A_188 {strides = array<i32>} : memref<1x1xf32, #tpu.memory_space<vmem>>, vector<1x1xf32>,
    %get3A_192 = arith.constant 0 : index
    %get3A_193 = arith.constant 0 : index
    %get3A_194 = vector.load %arg7[%get3A_192, %get3A_193] : memref<1024x1xf32, #tpu.memory_space<vmem>>, vector<1024x1xf32>
    %add3A_195 = arith.addf %get3A_194, %dot_general3A_181 : vector<1024x1xf32>
    %swap3A_196 = arith.constant 0 : index
    %swap3A_197 = arith.constant 0 : index
    %swap3A_198 = vector.load %arg7[%swap3A_196, %swap3A_197] : memref<1024x1xf32, #tpu.memory_space<vmem>>, vector<1024x1xf32>
    tpu.vector_store %arg7[%swap3A_196, %swap3A_197], %add3A_195 {strides = array<i32>} : memref<1024x1xf32, #tpu.memory_space<vmem>>, vector<1024x1xf32>,
    %get3A_199 = arith.constant 3 : index
    %get3A_200 = arith.constant 0 : index
    %get3A_201 = arith.constant 0 : index
    %get3A_202 = vector.load %arg1[%get3A_199, %get3A_200, %get3A_201] : memref<4x64x576xf32, #tpu.memory_space<vmem>>, vector<1x64x576xf32>
    %get3A_203 = vector.shape_cast %get3A_202 : vector<1x64x576xf32> to vector<64x576xf32>
    %get3A_204 = arith.constant 3 : index
    %get3A_205 = arith.constant 0 : index
    %get3A_206 = arith.constant 0 : index
    %get3A_207 = vector.load %arg4[%get3A_204, %get3A_205, %get3A_206] : memref<4x1x576xf32, #tpu.memory_space<vmem>>, vector<1x1x576xf32>
    %get3A_208 = vector.shape_cast %get3A_207 : vector<1x1x576xf32> to vector<1x576xf32>
    %transpose3A_209 = tpu.transpose %get3A_203, [1, 0] : vector<64x576xf32> -> vector<576x64xf32>
    %transpose3A_210 = tpu.transpose %get3A_208, [1, 0] : vector<1x576xf32> -> vector<576x1xf32>
    %dot_general3A_211 = arith.constant dense<0.000000e+00> : vector<576x1024xf32>
    %dot_general3A_212 = tpu.matmul %transpose3A_209, %get3A_3, %dot_general3A_211 {dimension_numbers = #tpu.dot_dimension_numbers<[1], [1], [0], [0], [0, 0, 1, 0], [], []>, transpose_lhs_hint = false} : vector<576x64xf32>, vector<1024x64xf32>, vector<576x1024xf32> -> vector<576x1024xf32>
    %add3A_213 = vector.broadcast %transpose3A_210 : vector<576x1xf32> to vector<576x1024xf32>
    %add3A_214 = vector.broadcast %get3A_6 : vector<1x1024xf32> to vector<576x1024xf32>
    %add3A_215 = arith.addf %add3A_213, %add3A_214 : vector<576x1024xf32>
    %mul3A_216 = arith.constant 2.000000e+00 : f32
    %mul3A_217 = vector.broadcast %mul3A_216 : f32 to vector<576x1024xf32>
    %mul3A_218 = arith.mulf %mul3A_217, %dot_general3A_212 : vector<576x1024xf32>
    %sub3A_219 = arith.subf %add3A_215, %mul3A_218 : vector<576x1024xf32>
    %reduce_min3A_220 = arith.constant dense<0x7F800000> : vector<576xf32>
    %reduce_min3A_221 = vector.multi_reduction <minimumf>, %sub3A_219, %reduce_min3A_220 [1] : vector<576x1024xf32> to vector<576xf32>
    %broadcast_in_dim3A_222 = vector.shape_cast %reduce_min3A_221 : vector<576xf32> to vector<576x1xf32>
    %iota3A_223 = tpu.iota {dimensions = array<i32: 1>} : vector<576x1024xi32>
    %convert_element_type3A_224 = arith.sitofp %iota3A_223 : vector<576x1024xi32> to vector<576x1024xf32>
    %eq3A_225 = vector.broadcast %broadcast_in_dim3A_222 : vector<576x1xf32> to vector<576x1024xf32>
    %eq3A_226 = arith.cmpf oeq, %sub3A_219, %eq3A_225 : vector<576x1024xf32>
    %jit3A_227 = arith.constant 1.024000e+03 : f32
    %broadcast_in_dim3A_228 = vector.broadcast %jit3A_227 : f32 to vector<576x1024xf32>
    %select_n3A_229 = arith.select %eq3A_226, %convert_element_type3A_224, %broadcast_in_dim3A_228 : vector<576x1024xi1>, vector<576x1024xf32>
    %reduce_min3A_230 = arith.constant dense<0x7F800000> : vector<576xf32>
    %reduce_min3A_231 = vector.multi_reduction <minimumf>, %select_n3A_229, %reduce_min3A_230 [1] : vector<576x1024xf32> to vector<576xf32>
    %convert_element_type3A_232 = arith.fptosi %reduce_min3A_231 : vector<576xf32> to vector<576xi32>
    %swap3A_233 = arith.constant 3 : index
    %swap3A_234 = arith.constant 0 : index
    %swap3A_235 = arith.constant 0 : index
    %swap3A_236 = vector.load %arg5[%swap3A_233, %swap3A_234, %swap3A_235] : memref<4x1x576xi32, #tpu.memory_space<vmem>>, vector<1x1x576xi32>
    %swap3A_237 = vector.shape_cast %swap3A_236 : vector<1x1x576xi32> to vector<576xi32>
    %swap3A_238 = vector.shape_cast %convert_element_type3A_232 : vector<576xi32> to vector<1x1x576xi32>
    tpu.vector_store %arg5[%swap3A_233, %swap3A_234, %swap3A_235], %swap3A_238 {strides = array<i32>} : memref<4x1x576xi32, #tpu.memory_space<vmem>>, vector<1x1x576xi32>,
    %iota3A_239 = tpu.iota {dimensions = array<i32: 0>} : vector<1024x576xi32>
    %convert_element_type3A_240 = arith.sitofp %iota3A_239 : vector<1024x576xi32> to vector<1024x576xf32>
    %broadcast_in_dim3A_241 = vector.shape_cast %reduce_min3A_231 : vector<576xf32> to vector<1x576xf32>
    %eq3A_242 = vector.broadcast %broadcast_in_dim3A_241 : vector<1x576xf32> to vector<1024x576xf32>
    %eq3A_243 = arith.cmpf oeq, %convert_element_type3A_240, %eq3A_242 : vector<1024x576xf32>
    %convert_element_type3A_244 = arith.extui %eq3A_243 : vector<1024x576xi1> to vector<1024x576xi32>
    %convert_element_type3A_245 = arith.sitofp %convert_element_type3A_244 : vector<1024x576xi32> to vector<1024x576xf32>
    %broadcast_in_dim3A_246 = arith.constant 1.000000e+00 : f32
    %broadcast_in_dim3A_247 = vector.broadcast %broadcast_in_dim3A_246 : f32 to vector<576x1xf32>
    %dot_general3A_248 = arith.constant dense<0.000000e+00> : vector<1024x1xf32>
    %dot_general3A_249 = tpu.matmul %convert_element_type3A_245, %broadcast_in_dim3A_247, %dot_general3A_248 {dimension_numbers = #tpu.dot_dimension_numbers<[1], [0], [0], [1], [0, 0, 1, 1], [], []>, transpose_lhs_hint = false} : vector<1024x576xf32>, vector<576x1xf32>, vector<1024x1xf32> -> vector<1024x1xf32>
    %get3A_250 = arith.constant 0 : index
    %get3A_251 = arith.constant 0 : index
    %get3A_252 = vector.load %arg6[%get3A_250, %get3A_251] : memref<1x1xf32, #tpu.memory_space<vmem>>, vector<1x1xf32>
    %reduce_sum3A_253 = arith.constant dense<0.000000e+00> : vector<1xf32>
    %reduce_sum3A_254 = vector.multi_reduction <add>, %broadcast_in_dim3A_222, %reduce_sum3A_253 [0] : vector<576x1xf32> to vector<1xf32>
    %broadcast_in_dim3A_255 = vector.shape_cast %reduce_sum3A_254 : vector<1xf32> to vector<1x1xf32>
    %add3A_256 = arith.addf %get3A_252, %broadcast_in_dim3A_255 : vector<1x1xf32>
    %swap3A_257 = arith.constant 0 : index
    %swap3A_258 = arith.constant 0 : index
    %swap3A_259 = vector.load %arg6[%swap3A_257, %swap3A_258] : memref<1x1xf32, #tpu.memory_space<vmem>>, vector<1x1xf32>
    tpu.vector_store %arg6[%swap3A_257, %swap3A_258], %add3A_256 {strides = array<i32>} : memref<1x1xf32, #tpu.memory_space<vmem>>, vector<1x1xf32>,
    %get3A_260 = arith.constant 0 : index
    %get3A_261 = arith.constant 0 : index
    %get3A_262 = vector.load %arg7[%get3A_260, %get3A_261] : memref<1024x1xf32, #tpu.memory_space<vmem>>, vector<1024x1xf32>
    %add3A_263 = arith.addf %get3A_262, %dot_general3A_249 : vector<1024x1xf32>
    %swap3A_264 = arith.constant 0 : index
    %swap3A_265 = arith.constant 0 : index
    %swap3A_266 = vector.load %arg7[%swap3A_264, %swap3A_265] : memref<1024x1xf32, #tpu.memory_space<vmem>>, vector<1024x1xf32>
    tpu.vector_store %arg7[%swap3A_264, %swap3A_265], %add3A_263 {strides = array<i32>} : memref<1024x1xf32, #tpu.memory_space<vmem>>, vector<1024x1xf32>,
    return
  }
  func.func @transform_0(%arg0: i32) -> (i32, i32, i32) {
    %c0_i32 = arith.constant 0 : i32
    %c0_i32_0 = arith.constant 0 : i32
    %c0_i32_1 = arith.constant 0 : i32
    return %arg0, %c0_i32, %c0_i32_0 : i32, i32, i32
  }
  func.func @transform_1(%arg0: i32) -> (i32, i32) {
    %c0_i32 = arith.constant 0 : i32
    %c0_i32_0 = arith.constant 0 : i32
    %c0_i32_1 = arith.constant 0 : i32
    return %c0_i32, %c0_i32_0 : i32, i32
  }
  func.func @transform_2(%arg0: i32) -> (i32, i32) {
    %c0_i32 = arith.constant 0 : i32
    %c0_i32_0 = arith.constant 0 : i32
    %c0_i32_1 = arith.constant 0 : i32
    return %c0_i32, %c0_i32_0 : i32, i32
  }
  func.func @transform_3(%arg0: i32) -> (i32, i32, i32) {
    %c0_i32 = arith.constant 0 : i32
    %c0_i32_0 = arith.constant 0 : i32
    %c0_i32_1 = arith.constant 0 : i32
    return %arg0, %c0_i32, %c0_i32_0 : i32, i32, i32
  }
  func.func @transform_4(%arg0: i32) -> (i32, i32, i32) {
    %c0_i32 = arith.constant 0 : i32
    %c0_i32_0 = arith.constant 0 : i32
    %c0_i32_1 = arith.constant 0 : i32
    return %arg0, %c0_i32, %c0_i32_0 : i32, i32, i32
  }
  func.func @transform_5(%arg0: i32) -> (i32, i32) {
    %c0_i32 = arith.constant 0 : i32
    %c0_i32_0 = arith.constant 0 : i32
    %c0_i32_1 = arith.constant 0 : i32
    return %c0_i32, %c0_i32_0 : i32, i32
  }
  func.func @transform_6(%arg0: i32) -> (i32, i32) {
    %c0_i32 = arith.constant 0 : i32
    %c0_i32_0 = arith.constant 0 : i32
    %c0_i32_1 = arith.constant 0 : i32
    return %c0_i32, %c0_i32_0 : i32, i32
  }
}

module attributes {stable_mosaic.version = 14 : i64} {
  func.func @_half2_body(%arg0: i32, %arg1: memref<4x64x576xf32, #tpu.memory_space<vmem>>, %arg2: memref<1024x64xf32, #tpu.memory_space<vmem>>, %arg3: memref<1x1024xf32, #tpu.memory_space<vmem>>, %arg4: memref<4x1x576xf32, #tpu.memory_space<vmem>>, %arg5: memref<1x1xf32, #tpu.memory_space<vmem>>, %arg6: memref<1024x1xf32, #tpu.memory_space<vmem>>, %arg7: memref<4x64x576xf32, #tpu.memory_space<vmem>>, %arg8: memref<1x1xf32, #tpu.memory_space<vmem>>, %arg9: memref<1x1xf32, #tpu.memory_space<vmem>>, %arg10: memref<1024x1xf32, #tpu.memory_space<vmem>>) attributes {dimension_semantics = [#tpu.dimension_semantics<arbitrary>], iteration_bounds = array<i64: 4>, scalar_prefetch = 0 : i64, scratch_operands = 0 : i64, tpu.core_type = #tpu.core_type<tc>, window_params = [{transform_indices = @transform_0, window_bounds = array<i64: 4, 64, 576>}, {pipeline_mode = #tpu.pipeline_mode<synchronous>, transform_indices = @transform_1, window_bounds = array<i64: 1024, 64>}, {pipeline_mode = #tpu.pipeline_mode<synchronous>, transform_indices = @transform_2, window_bounds = array<i64: 1, 1024>}, {transform_indices = @transform_3, window_bounds = array<i64: 4, 1, 576>}, {pipeline_mode = #tpu.pipeline_mode<synchronous>, transform_indices = @transform_4, window_bounds = array<i64: 1, 1>}, {pipeline_mode = #tpu.pipeline_mode<synchronous>, transform_indices = @transform_5, window_bounds = array<i64: 1024, 1>}, {transform_indices = @transform_6, window_bounds = array<i64: 4, 64, 576>}, {pipeline_mode = #tpu.pipeline_mode<synchronous>, transform_indices = @transform_7, window_bounds = array<i64: 1, 1>}, {pipeline_mode = #tpu.pipeline_mode<synchronous>, transform_indices = @transform_8, window_bounds = array<i64: 1, 1>}, {pipeline_mode = #tpu.pipeline_mode<synchronous>, transform_indices = @transform_9, window_bounds = array<i64: 1024, 1>}]} {
    %eq3A = arith.constant 0 : i32
    %eq3A_0 = arith.cmpi eq, %arg0, %eq3A : i32
    %convert_element_type3A = arith.extui %eq3A_0 : i1 to i32
    %cond3A = arith.constant 0 : i32
    %cond3A_1 = arith.cmpi ne, %convert_element_type3A, %cond3A : i32
    scf.if %cond3A_1 {
      %broadcast_in_dim3A_276 = arith.constant 0.000000e+00 : f32
      %broadcast_in_dim3A_277 = vector.broadcast %broadcast_in_dim3A_276 : f32 to vector<1x1xf32>
      %swap3A_278 = arith.constant 0 : index
      %swap3A_279 = arith.constant 0 : index
      %swap3A_280 = vector.load %arg8[%swap3A_278, %swap3A_279] : memref<1x1xf32, #tpu.memory_space<vmem>>, vector<1x1xf32>
      tpu.vector_store %arg8[%swap3A_278, %swap3A_279], %broadcast_in_dim3A_277 {strides = array<i32>} : memref<1x1xf32, #tpu.memory_space<vmem>>, vector<1x1xf32>,
      %broadcast_in_dim3A_281 = arith.constant 0.000000e+00 : f32
      %broadcast_in_dim3A_282 = vector.broadcast %broadcast_in_dim3A_281 : f32 to vector<1024x1xf32>
      %swap3A_283 = arith.constant 0 : index
      %swap3A_284 = arith.constant 0 : index
      %swap3A_285 = vector.load %arg10[%swap3A_283, %swap3A_284] : memref<1024x1xf32, #tpu.memory_space<vmem>>, vector<1024x1xf32>
      tpu.vector_store %arg10[%swap3A_283, %swap3A_284], %broadcast_in_dim3A_282 {strides = array<i32>} : memref<1024x1xf32, #tpu.memory_space<vmem>>, vector<1024x1xf32>,
      %broadcast_in_dim3A_286 = arith.constant 0.000000e+00 : f32
      %broadcast_in_dim3A_287 = vector.broadcast %broadcast_in_dim3A_286 : f32 to vector<1x1xf32>
      %swap3A_288 = arith.constant 0 : index
      %swap3A_289 = arith.constant 0 : index
      %swap3A_290 = vector.load %arg9[%swap3A_288, %swap3A_289] : memref<1x1xf32, #tpu.memory_space<vmem>>, vector<1x1xf32>
      tpu.vector_store %arg9[%swap3A_288, %swap3A_289], %broadcast_in_dim3A_287 {strides = array<i32>} : memref<1x1xf32, #tpu.memory_space<vmem>>, vector<1x1xf32>,
    } else {
    }
    %get3A = arith.constant 0 : index
    %get3A_2 = arith.constant 0 : index
    %get3A_3 = vector.load %arg2[%get3A, %get3A_2] : memref<1024x64xf32, #tpu.memory_space<vmem>>, vector<1024x64xf32>
    %get3A_4 = arith.constant 0 : index
    %get3A_5 = arith.constant 0 : index
    %get3A_6 = vector.load %arg3[%get3A_4, %get3A_5] : memref<1x1024xf32, #tpu.memory_space<vmem>>, vector<1x1024xf32>
    %get3A_7 = arith.constant 0 : index
    %get3A_8 = arith.constant 0 : index
    %get3A_9 = arith.constant 0 : index
    %get3A_10 = vector.load %arg1[%get3A_7, %get3A_8, %get3A_9] : memref<4x64x576xf32, #tpu.memory_space<vmem>>, vector<1x64x576xf32>
    %get3A_11 = vector.shape_cast %get3A_10 : vector<1x64x576xf32> to vector<64x576xf32>
    %get3A_12 = arith.constant 0 : index
    %get3A_13 = arith.constant 0 : index
    %get3A_14 = arith.constant 0 : index
    %get3A_15 = vector.load %arg4[%get3A_12, %get3A_13, %get3A_14] : memref<4x1x576xf32, #tpu.memory_space<vmem>>, vector<1x1x576xf32>
    %get3A_16 = vector.shape_cast %get3A_15 : vector<1x1x576xf32> to vector<1x576xf32>
    %transpose3A = tpu.transpose %get3A_11, [1, 0] : vector<64x576xf32> -> vector<576x64xf32>
    %transpose3A_17 = tpu.transpose %get3A_16, [1, 0] : vector<1x576xf32> -> vector<576x1xf32>
    %dot_general3A = arith.constant dense<0.000000e+00> : vector<576x1024xf32>
    %dot_general3A_18 = tpu.matmul %transpose3A, %get3A_3, %dot_general3A {dimension_numbers = #tpu.dot_dimension_numbers<[1], [1], [0], [0], [0, 0, 1, 0], [], []>, transpose_lhs_hint = false} : vector<576x64xf32>, vector<1024x64xf32>, vector<576x1024xf32> -> vector<576x1024xf32>
    %add3A = vector.broadcast %transpose3A_17 : vector<576x1xf32> to vector<576x1024xf32>
    %add3A_19 = vector.broadcast %get3A_6 : vector<1x1024xf32> to vector<576x1024xf32>
    %add3A_20 = arith.addf %add3A, %add3A_19 : vector<576x1024xf32>
    %mul3A = arith.constant 2.000000e+00 : f32
    %mul3A_21 = vector.broadcast %mul3A : f32 to vector<576x1024xf32>
    %mul3A_22 = arith.mulf %mul3A_21, %dot_general3A_18 : vector<576x1024xf32>
    %sub3A = arith.subf %add3A_20, %mul3A_22 : vector<576x1024xf32>
    %reduce_min3A = arith.constant dense<0x7F800000> : vector<576xf32>
    %reduce_min3A_23 = vector.multi_reduction <minimumf>, %sub3A, %reduce_min3A [1] : vector<576x1024xf32> to vector<576xf32>
    %broadcast_in_dim3A = vector.shape_cast %reduce_min3A_23 : vector<576xf32> to vector<576x1xf32>
    %iota3A = tpu.iota {dimensions = array<i32: 1>} : vector<576x1024xi32>
    %convert_element_type3A_24 = arith.sitofp %iota3A : vector<576x1024xi32> to vector<576x1024xf32>
    %eq3A_25 = vector.broadcast %broadcast_in_dim3A : vector<576x1xf32> to vector<576x1024xf32>
    %eq3A_26 = arith.cmpf oeq, %sub3A, %eq3A_25 : vector<576x1024xf32>
    %jit3A = arith.constant 1.024000e+03 : f32
    %broadcast_in_dim3A_27 = vector.broadcast %jit3A : f32 to vector<576x1024xf32>
    %select_n3A = arith.select %eq3A_26, %convert_element_type3A_24, %broadcast_in_dim3A_27 : vector<576x1024xi1>, vector<576x1024xf32>
    %reduce_min3A_28 = arith.constant dense<0x7F800000> : vector<576xf32>
    %reduce_min3A_29 = vector.multi_reduction <minimumf>, %select_n3A, %reduce_min3A_28 [1] : vector<576x1024xf32> to vector<576xf32>
    %iota3A_30 = tpu.iota {dimensions = array<i32: 0>} : vector<1024x576xi32>
    %convert_element_type3A_31 = arith.sitofp %iota3A_30 : vector<1024x576xi32> to vector<1024x576xf32>
    %broadcast_in_dim3A_32 = vector.shape_cast %reduce_min3A_29 : vector<576xf32> to vector<1x576xf32>
    %eq3A_33 = vector.broadcast %broadcast_in_dim3A_32 : vector<1x576xf32> to vector<1024x576xf32>
    %eq3A_34 = arith.cmpf oeq, %convert_element_type3A_31, %eq3A_33 : vector<1024x576xf32>
    %convert_element_type3A_35 = arith.extui %eq3A_34 : vector<1024x576xi1> to vector<1024x576xi32>
    %convert_element_type3A_36 = arith.sitofp %convert_element_type3A_35 : vector<1024x576xi32> to vector<1024x576xf32>
    %broadcast_in_dim3A_37 = arith.constant 1.000000e+00 : f32
    %broadcast_in_dim3A_38 = vector.broadcast %broadcast_in_dim3A_37 : f32 to vector<576x1xf32>
    %dot_general3A_39 = arith.constant dense<0.000000e+00> : vector<1024x1xf32>
    %dot_general3A_40 = tpu.matmul %convert_element_type3A_36, %broadcast_in_dim3A_38, %dot_general3A_39 {dimension_numbers = #tpu.dot_dimension_numbers<[1], [0], [0], [1], [0, 0, 1, 1], [], []>, transpose_lhs_hint = false} : vector<1024x576xf32>, vector<576x1xf32>, vector<1024x1xf32> -> vector<1024x1xf32>
    %dot_general3A_41 = arith.constant dense<0.000000e+00> : vector<64x576xf32>
    %dot_general3A_42 = tpu.matmul %get3A_3, %convert_element_type3A_36, %dot_general3A_41 {dimension_numbers = #tpu.dot_dimension_numbers<[0], [0], [1], [1], [0, 1, 1, 1], [], []>, transpose_lhs_hint = false} : vector<1024x64xf32>, vector<1024x576xf32>, vector<64x576xf32> -> vector<64x576xf32>
    %swap3A = arith.constant 0 : index
    %swap3A_43 = arith.constant 0 : index
    %swap3A_44 = arith.constant 0 : index
    %swap3A_45 = vector.load %arg7[%swap3A, %swap3A_43, %swap3A_44] : memref<4x64x576xf32, #tpu.memory_space<vmem>>, vector<1x64x576xf32>
    %swap3A_46 = vector.shape_cast %swap3A_45 : vector<1x64x576xf32> to vector<64x576xf32>
    %swap3A_47 = vector.shape_cast %dot_general3A_42 : vector<64x576xf32> to vector<1x64x576xf32>
    tpu.vector_store %arg7[%swap3A, %swap3A_43, %swap3A_44], %swap3A_47 {strides = array<i32>} : memref<4x64x576xf32, #tpu.memory_space<vmem>>, vector<1x64x576xf32>,
    %get3A_48 = arith.constant 0 : index
    %get3A_49 = arith.constant 0 : index
    %get3A_50 = vector.load %arg8[%get3A_48, %get3A_49] : memref<1x1xf32, #tpu.memory_space<vmem>>, vector<1x1xf32>
    %reduce_sum3A = arith.constant dense<0.000000e+00> : vector<1xf32>
    %reduce_sum3A_51 = vector.multi_reduction <add>, %broadcast_in_dim3A, %reduce_sum3A [0] : vector<576x1xf32> to vector<1xf32>
    %broadcast_in_dim3A_52 = vector.shape_cast %reduce_sum3A_51 : vector<1xf32> to vector<1x1xf32>
    %add3A_53 = arith.addf %get3A_50, %broadcast_in_dim3A_52 : vector<1x1xf32>
    %swap3A_54 = arith.constant 0 : index
    %swap3A_55 = arith.constant 0 : index
    %swap3A_56 = vector.load %arg8[%swap3A_54, %swap3A_55] : memref<1x1xf32, #tpu.memory_space<vmem>>, vector<1x1xf32>
    tpu.vector_store %arg8[%swap3A_54, %swap3A_55], %add3A_53 {strides = array<i32>} : memref<1x1xf32, #tpu.memory_space<vmem>>, vector<1x1xf32>,
    %get3A_57 = arith.constant 0 : index
    %get3A_58 = arith.constant 0 : index
    %get3A_59 = vector.load %arg10[%get3A_57, %get3A_58] : memref<1024x1xf32, #tpu.memory_space<vmem>>, vector<1024x1xf32>
    %add3A_60 = arith.addf %get3A_59, %dot_general3A_40 : vector<1024x1xf32>
    %swap3A_61 = arith.constant 0 : index
    %swap3A_62 = arith.constant 0 : index
    %swap3A_63 = vector.load %arg10[%swap3A_61, %swap3A_62] : memref<1024x1xf32, #tpu.memory_space<vmem>>, vector<1024x1xf32>
    tpu.vector_store %arg10[%swap3A_61, %swap3A_62], %add3A_60 {strides = array<i32>} : memref<1024x1xf32, #tpu.memory_space<vmem>>, vector<1024x1xf32>,
    %get3A_64 = arith.constant 1 : index
    %get3A_65 = arith.constant 0 : index
    %get3A_66 = arith.constant 0 : index
    %get3A_67 = vector.load %arg1[%get3A_64, %get3A_65, %get3A_66] : memref<4x64x576xf32, #tpu.memory_space<vmem>>, vector<1x64x576xf32>
    %get3A_68 = vector.shape_cast %get3A_67 : vector<1x64x576xf32> to vector<64x576xf32>
    %get3A_69 = arith.constant 1 : index
    %get3A_70 = arith.constant 0 : index
    %get3A_71 = arith.constant 0 : index
    %get3A_72 = vector.load %arg4[%get3A_69, %get3A_70, %get3A_71] : memref<4x1x576xf32, #tpu.memory_space<vmem>>, vector<1x1x576xf32>
    %get3A_73 = vector.shape_cast %get3A_72 : vector<1x1x576xf32> to vector<1x576xf32>
    %transpose3A_74 = tpu.transpose %get3A_68, [1, 0] : vector<64x576xf32> -> vector<576x64xf32>
    %transpose3A_75 = tpu.transpose %get3A_73, [1, 0] : vector<1x576xf32> -> vector<576x1xf32>
    %dot_general3A_76 = arith.constant dense<0.000000e+00> : vector<576x1024xf32>
    %dot_general3A_77 = tpu.matmul %transpose3A_74, %get3A_3, %dot_general3A_76 {dimension_numbers = #tpu.dot_dimension_numbers<[1], [1], [0], [0], [0, 0, 1, 0], [], []>, transpose_lhs_hint = false} : vector<576x64xf32>, vector<1024x64xf32>, vector<576x1024xf32> -> vector<576x1024xf32>
    %add3A_78 = vector.broadcast %transpose3A_75 : vector<576x1xf32> to vector<576x1024xf32>
    %add3A_79 = vector.broadcast %get3A_6 : vector<1x1024xf32> to vector<576x1024xf32>
    %add3A_80 = arith.addf %add3A_78, %add3A_79 : vector<576x1024xf32>
    %mul3A_81 = arith.constant 2.000000e+00 : f32
    %mul3A_82 = vector.broadcast %mul3A_81 : f32 to vector<576x1024xf32>
    %mul3A_83 = arith.mulf %mul3A_82, %dot_general3A_77 : vector<576x1024xf32>
    %sub3A_84 = arith.subf %add3A_80, %mul3A_83 : vector<576x1024xf32>
    %reduce_min3A_85 = arith.constant dense<0x7F800000> : vector<576xf32>
    %reduce_min3A_86 = vector.multi_reduction <minimumf>, %sub3A_84, %reduce_min3A_85 [1] : vector<576x1024xf32> to vector<576xf32>
    %broadcast_in_dim3A_87 = vector.shape_cast %reduce_min3A_86 : vector<576xf32> to vector<576x1xf32>
    %iota3A_88 = tpu.iota {dimensions = array<i32: 1>} : vector<576x1024xi32>
    %convert_element_type3A_89 = arith.sitofp %iota3A_88 : vector<576x1024xi32> to vector<576x1024xf32>
    %eq3A_90 = vector.broadcast %broadcast_in_dim3A_87 : vector<576x1xf32> to vector<576x1024xf32>
    %eq3A_91 = arith.cmpf oeq, %sub3A_84, %eq3A_90 : vector<576x1024xf32>
    %jit3A_92 = arith.constant 1.024000e+03 : f32
    %broadcast_in_dim3A_93 = vector.broadcast %jit3A_92 : f32 to vector<576x1024xf32>
    %select_n3A_94 = arith.select %eq3A_91, %convert_element_type3A_89, %broadcast_in_dim3A_93 : vector<576x1024xi1>, vector<576x1024xf32>
    %reduce_min3A_95 = arith.constant dense<0x7F800000> : vector<576xf32>
    %reduce_min3A_96 = vector.multi_reduction <minimumf>, %select_n3A_94, %reduce_min3A_95 [1] : vector<576x1024xf32> to vector<576xf32>
    %iota3A_97 = tpu.iota {dimensions = array<i32: 0>} : vector<1024x576xi32>
    %convert_element_type3A_98 = arith.sitofp %iota3A_97 : vector<1024x576xi32> to vector<1024x576xf32>
    %broadcast_in_dim3A_99 = vector.shape_cast %reduce_min3A_96 : vector<576xf32> to vector<1x576xf32>
    %eq3A_100 = vector.broadcast %broadcast_in_dim3A_99 : vector<1x576xf32> to vector<1024x576xf32>
    %eq3A_101 = arith.cmpf oeq, %convert_element_type3A_98, %eq3A_100 : vector<1024x576xf32>
    %convert_element_type3A_102 = arith.extui %eq3A_101 : vector<1024x576xi1> to vector<1024x576xi32>
    %convert_element_type3A_103 = arith.sitofp %convert_element_type3A_102 : vector<1024x576xi32> to vector<1024x576xf32>
    %broadcast_in_dim3A_104 = arith.constant 1.000000e+00 : f32
    %broadcast_in_dim3A_105 = vector.broadcast %broadcast_in_dim3A_104 : f32 to vector<576x1xf32>
    %dot_general3A_106 = arith.constant dense<0.000000e+00> : vector<1024x1xf32>
    %dot_general3A_107 = tpu.matmul %convert_element_type3A_103, %broadcast_in_dim3A_105, %dot_general3A_106 {dimension_numbers = #tpu.dot_dimension_numbers<[1], [0], [0], [1], [0, 0, 1, 1], [], []>, transpose_lhs_hint = false} : vector<1024x576xf32>, vector<576x1xf32>, vector<1024x1xf32> -> vector<1024x1xf32>
    %dot_general3A_108 = arith.constant dense<0.000000e+00> : vector<64x576xf32>
    %dot_general3A_109 = tpu.matmul %get3A_3, %convert_element_type3A_103, %dot_general3A_108 {dimension_numbers = #tpu.dot_dimension_numbers<[0], [0], [1], [1], [0, 1, 1, 1], [], []>, transpose_lhs_hint = false} : vector<1024x64xf32>, vector<1024x576xf32>, vector<64x576xf32> -> vector<64x576xf32>
    %swap3A_110 = arith.constant 1 : index
    %swap3A_111 = arith.constant 0 : index
    %swap3A_112 = arith.constant 0 : index
    %swap3A_113 = vector.load %arg7[%swap3A_110, %swap3A_111, %swap3A_112] : memref<4x64x576xf32, #tpu.memory_space<vmem>>, vector<1x64x576xf32>
    %swap3A_114 = vector.shape_cast %swap3A_113 : vector<1x64x576xf32> to vector<64x576xf32>
    %swap3A_115 = vector.shape_cast %dot_general3A_109 : vector<64x576xf32> to vector<1x64x576xf32>
    tpu.vector_store %arg7[%swap3A_110, %swap3A_111, %swap3A_112], %swap3A_115 {strides = array<i32>} : memref<4x64x576xf32, #tpu.memory_space<vmem>>, vector<1x64x576xf32>,
    %get3A_116 = arith.constant 0 : index
    %get3A_117 = arith.constant 0 : index
    %get3A_118 = vector.load %arg8[%get3A_116, %get3A_117] : memref<1x1xf32, #tpu.memory_space<vmem>>, vector<1x1xf32>
    %reduce_sum3A_119 = arith.constant dense<0.000000e+00> : vector<1xf32>
    %reduce_sum3A_120 = vector.multi_reduction <add>, %broadcast_in_dim3A_87, %reduce_sum3A_119 [0] : vector<576x1xf32> to vector<1xf32>
    %broadcast_in_dim3A_121 = vector.shape_cast %reduce_sum3A_120 : vector<1xf32> to vector<1x1xf32>
    %add3A_122 = arith.addf %get3A_118, %broadcast_in_dim3A_121 : vector<1x1xf32>
    %swap3A_123 = arith.constant 0 : index
    %swap3A_124 = arith.constant 0 : index
    %swap3A_125 = vector.load %arg8[%swap3A_123, %swap3A_124] : memref<1x1xf32, #tpu.memory_space<vmem>>, vector<1x1xf32>
    tpu.vector_store %arg8[%swap3A_123, %swap3A_124], %add3A_122 {strides = array<i32>} : memref<1x1xf32, #tpu.memory_space<vmem>>, vector<1x1xf32>,
    %get3A_126 = arith.constant 0 : index
    %get3A_127 = arith.constant 0 : index
    %get3A_128 = vector.load %arg10[%get3A_126, %get3A_127] : memref<1024x1xf32, #tpu.memory_space<vmem>>, vector<1024x1xf32>
    %add3A_129 = arith.addf %get3A_128, %dot_general3A_107 : vector<1024x1xf32>
    %swap3A_130 = arith.constant 0 : index
    %swap3A_131 = arith.constant 0 : index
    %swap3A_132 = vector.load %arg10[%swap3A_130, %swap3A_131] : memref<1024x1xf32, #tpu.memory_space<vmem>>, vector<1024x1xf32>
    tpu.vector_store %arg10[%swap3A_130, %swap3A_131], %add3A_129 {strides = array<i32>} : memref<1024x1xf32, #tpu.memory_space<vmem>>, vector<1024x1xf32>,
    %get3A_133 = arith.constant 2 : index
    %get3A_134 = arith.constant 0 : index
    %get3A_135 = arith.constant 0 : index
    %get3A_136 = vector.load %arg1[%get3A_133, %get3A_134, %get3A_135] : memref<4x64x576xf32, #tpu.memory_space<vmem>>, vector<1x64x576xf32>
    %get3A_137 = vector.shape_cast %get3A_136 : vector<1x64x576xf32> to vector<64x576xf32>
    %get3A_138 = arith.constant 2 : index
    %get3A_139 = arith.constant 0 : index
    %get3A_140 = arith.constant 0 : index
    %get3A_141 = vector.load %arg4[%get3A_138, %get3A_139, %get3A_140] : memref<4x1x576xf32, #tpu.memory_space<vmem>>, vector<1x1x576xf32>
    %get3A_142 = vector.shape_cast %get3A_141 : vector<1x1x576xf32> to vector<1x576xf32>
    %transpose3A_143 = tpu.transpose %get3A_137, [1, 0] : vector<64x576xf32> -> vector<576x64xf32>
    %transpose3A_144 = tpu.transpose %get3A_142, [1, 0] : vector<1x576xf32> -> vector<576x1xf32>
    %dot_general3A_145 = arith.constant dense<0.000000e+00> : vector<576x1024xf32>
    %dot_general3A_146 = tpu.matmul %transpose3A_143, %get3A_3, %dot_general3A_145 {dimension_numbers = #tpu.dot_dimension_numbers<[1], [1], [0], [0], [0, 0, 1, 0], [], []>, transpose_lhs_hint = false} : vector<576x64xf32>, vector<1024x64xf32>, vector<576x1024xf32> -> vector<576x1024xf32>
    %add3A_147 = vector.broadcast %transpose3A_144 : vector<576x1xf32> to vector<576x1024xf32>
    %add3A_148 = vector.broadcast %get3A_6 : vector<1x1024xf32> to vector<576x1024xf32>
    %add3A_149 = arith.addf %add3A_147, %add3A_148 : vector<576x1024xf32>
    %mul3A_150 = arith.constant 2.000000e+00 : f32
    %mul3A_151 = vector.broadcast %mul3A_150 : f32 to vector<576x1024xf32>
    %mul3A_152 = arith.mulf %mul3A_151, %dot_general3A_146 : vector<576x1024xf32>
    %sub3A_153 = arith.subf %add3A_149, %mul3A_152 : vector<576x1024xf32>
    %reduce_min3A_154 = arith.constant dense<0x7F800000> : vector<576xf32>
    %reduce_min3A_155 = vector.multi_reduction <minimumf>, %sub3A_153, %reduce_min3A_154 [1] : vector<576x1024xf32> to vector<576xf32>
    %broadcast_in_dim3A_156 = vector.shape_cast %reduce_min3A_155 : vector<576xf32> to vector<576x1xf32>
    %iota3A_157 = tpu.iota {dimensions = array<i32: 1>} : vector<576x1024xi32>
    %convert_element_type3A_158 = arith.sitofp %iota3A_157 : vector<576x1024xi32> to vector<576x1024xf32>
    %eq3A_159 = vector.broadcast %broadcast_in_dim3A_156 : vector<576x1xf32> to vector<576x1024xf32>
    %eq3A_160 = arith.cmpf oeq, %sub3A_153, %eq3A_159 : vector<576x1024xf32>
    %jit3A_161 = arith.constant 1.024000e+03 : f32
    %broadcast_in_dim3A_162 = vector.broadcast %jit3A_161 : f32 to vector<576x1024xf32>
    %select_n3A_163 = arith.select %eq3A_160, %convert_element_type3A_158, %broadcast_in_dim3A_162 : vector<576x1024xi1>, vector<576x1024xf32>
    %reduce_min3A_164 = arith.constant dense<0x7F800000> : vector<576xf32>
    %reduce_min3A_165 = vector.multi_reduction <minimumf>, %select_n3A_163, %reduce_min3A_164 [1] : vector<576x1024xf32> to vector<576xf32>
    %iota3A_166 = tpu.iota {dimensions = array<i32: 0>} : vector<1024x576xi32>
    %convert_element_type3A_167 = arith.sitofp %iota3A_166 : vector<1024x576xi32> to vector<1024x576xf32>
    %broadcast_in_dim3A_168 = vector.shape_cast %reduce_min3A_165 : vector<576xf32> to vector<1x576xf32>
    %eq3A_169 = vector.broadcast %broadcast_in_dim3A_168 : vector<1x576xf32> to vector<1024x576xf32>
    %eq3A_170 = arith.cmpf oeq, %convert_element_type3A_167, %eq3A_169 : vector<1024x576xf32>
    %convert_element_type3A_171 = arith.extui %eq3A_170 : vector<1024x576xi1> to vector<1024x576xi32>
    %convert_element_type3A_172 = arith.sitofp %convert_element_type3A_171 : vector<1024x576xi32> to vector<1024x576xf32>
    %broadcast_in_dim3A_173 = arith.constant 1.000000e+00 : f32
    %broadcast_in_dim3A_174 = vector.broadcast %broadcast_in_dim3A_173 : f32 to vector<576x1xf32>
    %dot_general3A_175 = arith.constant dense<0.000000e+00> : vector<1024x1xf32>
    %dot_general3A_176 = tpu.matmul %convert_element_type3A_172, %broadcast_in_dim3A_174, %dot_general3A_175 {dimension_numbers = #tpu.dot_dimension_numbers<[1], [0], [0], [1], [0, 0, 1, 1], [], []>, transpose_lhs_hint = false} : vector<1024x576xf32>, vector<576x1xf32>, vector<1024x1xf32> -> vector<1024x1xf32>
    %dot_general3A_177 = arith.constant dense<0.000000e+00> : vector<64x576xf32>
    %dot_general3A_178 = tpu.matmul %get3A_3, %convert_element_type3A_172, %dot_general3A_177 {dimension_numbers = #tpu.dot_dimension_numbers<[0], [0], [1], [1], [0, 1, 1, 1], [], []>, transpose_lhs_hint = false} : vector<1024x64xf32>, vector<1024x576xf32>, vector<64x576xf32> -> vector<64x576xf32>
    %swap3A_179 = arith.constant 2 : index
    %swap3A_180 = arith.constant 0 : index
    %swap3A_181 = arith.constant 0 : index
    %swap3A_182 = vector.load %arg7[%swap3A_179, %swap3A_180, %swap3A_181] : memref<4x64x576xf32, #tpu.memory_space<vmem>>, vector<1x64x576xf32>
    %swap3A_183 = vector.shape_cast %swap3A_182 : vector<1x64x576xf32> to vector<64x576xf32>
    %swap3A_184 = vector.shape_cast %dot_general3A_178 : vector<64x576xf32> to vector<1x64x576xf32>
    tpu.vector_store %arg7[%swap3A_179, %swap3A_180, %swap3A_181], %swap3A_184 {strides = array<i32>} : memref<4x64x576xf32, #tpu.memory_space<vmem>>, vector<1x64x576xf32>,
    %get3A_185 = arith.constant 0 : index
    %get3A_186 = arith.constant 0 : index
    %get3A_187 = vector.load %arg8[%get3A_185, %get3A_186] : memref<1x1xf32, #tpu.memory_space<vmem>>, vector<1x1xf32>
    %reduce_sum3A_188 = arith.constant dense<0.000000e+00> : vector<1xf32>
    %reduce_sum3A_189 = vector.multi_reduction <add>, %broadcast_in_dim3A_156, %reduce_sum3A_188 [0] : vector<576x1xf32> to vector<1xf32>
    %broadcast_in_dim3A_190 = vector.shape_cast %reduce_sum3A_189 : vector<1xf32> to vector<1x1xf32>
    %add3A_191 = arith.addf %get3A_187, %broadcast_in_dim3A_190 : vector<1x1xf32>
    %swap3A_192 = arith.constant 0 : index
    %swap3A_193 = arith.constant 0 : index
    %swap3A_194 = vector.load %arg8[%swap3A_192, %swap3A_193] : memref<1x1xf32, #tpu.memory_space<vmem>>, vector<1x1xf32>
    tpu.vector_store %arg8[%swap3A_192, %swap3A_193], %add3A_191 {strides = array<i32>} : memref<1x1xf32, #tpu.memory_space<vmem>>, vector<1x1xf32>,
    %get3A_195 = arith.constant 0 : index
    %get3A_196 = arith.constant 0 : index
    %get3A_197 = vector.load %arg10[%get3A_195, %get3A_196] : memref<1024x1xf32, #tpu.memory_space<vmem>>, vector<1024x1xf32>
    %add3A_198 = arith.addf %get3A_197, %dot_general3A_176 : vector<1024x1xf32>
    %swap3A_199 = arith.constant 0 : index
    %swap3A_200 = arith.constant 0 : index
    %swap3A_201 = vector.load %arg10[%swap3A_199, %swap3A_200] : memref<1024x1xf32, #tpu.memory_space<vmem>>, vector<1024x1xf32>
    tpu.vector_store %arg10[%swap3A_199, %swap3A_200], %add3A_198 {strides = array<i32>} : memref<1024x1xf32, #tpu.memory_space<vmem>>, vector<1024x1xf32>,
    %get3A_202 = arith.constant 3 : index
    %get3A_203 = arith.constant 0 : index
    %get3A_204 = arith.constant 0 : index
    %get3A_205 = vector.load %arg1[%get3A_202, %get3A_203, %get3A_204] : memref<4x64x576xf32, #tpu.memory_space<vmem>>, vector<1x64x576xf32>
    %get3A_206 = vector.shape_cast %get3A_205 : vector<1x64x576xf32> to vector<64x576xf32>
    %get3A_207 = arith.constant 3 : index
    %get3A_208 = arith.constant 0 : index
    %get3A_209 = arith.constant 0 : index
    %get3A_210 = vector.load %arg4[%get3A_207, %get3A_208, %get3A_209] : memref<4x1x576xf32, #tpu.memory_space<vmem>>, vector<1x1x576xf32>
    %get3A_211 = vector.shape_cast %get3A_210 : vector<1x1x576xf32> to vector<1x576xf32>
    %transpose3A_212 = tpu.transpose %get3A_206, [1, 0] : vector<64x576xf32> -> vector<576x64xf32>
    %transpose3A_213 = tpu.transpose %get3A_211, [1, 0] : vector<1x576xf32> -> vector<576x1xf32>
    %dot_general3A_214 = arith.constant dense<0.000000e+00> : vector<576x1024xf32>
    %dot_general3A_215 = tpu.matmul %transpose3A_212, %get3A_3, %dot_general3A_214 {dimension_numbers = #tpu.dot_dimension_numbers<[1], [1], [0], [0], [0, 0, 1, 0], [], []>, transpose_lhs_hint = false} : vector<576x64xf32>, vector<1024x64xf32>, vector<576x1024xf32> -> vector<576x1024xf32>
    %add3A_216 = vector.broadcast %transpose3A_213 : vector<576x1xf32> to vector<576x1024xf32>
    %add3A_217 = vector.broadcast %get3A_6 : vector<1x1024xf32> to vector<576x1024xf32>
    %add3A_218 = arith.addf %add3A_216, %add3A_217 : vector<576x1024xf32>
    %mul3A_219 = arith.constant 2.000000e+00 : f32
    %mul3A_220 = vector.broadcast %mul3A_219 : f32 to vector<576x1024xf32>
    %mul3A_221 = arith.mulf %mul3A_220, %dot_general3A_215 : vector<576x1024xf32>
    %sub3A_222 = arith.subf %add3A_218, %mul3A_221 : vector<576x1024xf32>
    %reduce_min3A_223 = arith.constant dense<0x7F800000> : vector<576xf32>
    %reduce_min3A_224 = vector.multi_reduction <minimumf>, %sub3A_222, %reduce_min3A_223 [1] : vector<576x1024xf32> to vector<576xf32>
    %broadcast_in_dim3A_225 = vector.shape_cast %reduce_min3A_224 : vector<576xf32> to vector<576x1xf32>
    %iota3A_226 = tpu.iota {dimensions = array<i32: 1>} : vector<576x1024xi32>
    %convert_element_type3A_227 = arith.sitofp %iota3A_226 : vector<576x1024xi32> to vector<576x1024xf32>
    %eq3A_228 = vector.broadcast %broadcast_in_dim3A_225 : vector<576x1xf32> to vector<576x1024xf32>
    %eq3A_229 = arith.cmpf oeq, %sub3A_222, %eq3A_228 : vector<576x1024xf32>
    %jit3A_230 = arith.constant 1.024000e+03 : f32
    %broadcast_in_dim3A_231 = vector.broadcast %jit3A_230 : f32 to vector<576x1024xf32>
    %select_n3A_232 = arith.select %eq3A_229, %convert_element_type3A_227, %broadcast_in_dim3A_231 : vector<576x1024xi1>, vector<576x1024xf32>
    %reduce_min3A_233 = arith.constant dense<0x7F800000> : vector<576xf32>
    %reduce_min3A_234 = vector.multi_reduction <minimumf>, %select_n3A_232, %reduce_min3A_233 [1] : vector<576x1024xf32> to vector<576xf32>
    %iota3A_235 = tpu.iota {dimensions = array<i32: 0>} : vector<1024x576xi32>
    %convert_element_type3A_236 = arith.sitofp %iota3A_235 : vector<1024x576xi32> to vector<1024x576xf32>
    %broadcast_in_dim3A_237 = vector.shape_cast %reduce_min3A_234 : vector<576xf32> to vector<1x576xf32>
    %eq3A_238 = vector.broadcast %broadcast_in_dim3A_237 : vector<1x576xf32> to vector<1024x576xf32>
    %eq3A_239 = arith.cmpf oeq, %convert_element_type3A_236, %eq3A_238 : vector<1024x576xf32>
    %convert_element_type3A_240 = arith.extui %eq3A_239 : vector<1024x576xi1> to vector<1024x576xi32>
    %convert_element_type3A_241 = arith.sitofp %convert_element_type3A_240 : vector<1024x576xi32> to vector<1024x576xf32>
    %broadcast_in_dim3A_242 = arith.constant 1.000000e+00 : f32
    %broadcast_in_dim3A_243 = vector.broadcast %broadcast_in_dim3A_242 : f32 to vector<576x1xf32>
    %dot_general3A_244 = arith.constant dense<0.000000e+00> : vector<1024x1xf32>
    %dot_general3A_245 = tpu.matmul %convert_element_type3A_241, %broadcast_in_dim3A_243, %dot_general3A_244 {dimension_numbers = #tpu.dot_dimension_numbers<[1], [0], [0], [1], [0, 0, 1, 1], [], []>, transpose_lhs_hint = false} : vector<1024x576xf32>, vector<576x1xf32>, vector<1024x1xf32> -> vector<1024x1xf32>
    %dot_general3A_246 = arith.constant dense<0.000000e+00> : vector<64x576xf32>
    %dot_general3A_247 = tpu.matmul %get3A_3, %convert_element_type3A_241, %dot_general3A_246 {dimension_numbers = #tpu.dot_dimension_numbers<[0], [0], [1], [1], [0, 1, 1, 1], [], []>, transpose_lhs_hint = false} : vector<1024x64xf32>, vector<1024x576xf32>, vector<64x576xf32> -> vector<64x576xf32>
    %swap3A_248 = arith.constant 3 : index
    %swap3A_249 = arith.constant 0 : index
    %swap3A_250 = arith.constant 0 : index
    %swap3A_251 = vector.load %arg7[%swap3A_248, %swap3A_249, %swap3A_250] : memref<4x64x576xf32, #tpu.memory_space<vmem>>, vector<1x64x576xf32>
    %swap3A_252 = vector.shape_cast %swap3A_251 : vector<1x64x576xf32> to vector<64x576xf32>
    %swap3A_253 = vector.shape_cast %dot_general3A_247 : vector<64x576xf32> to vector<1x64x576xf32>
    tpu.vector_store %arg7[%swap3A_248, %swap3A_249, %swap3A_250], %swap3A_253 {strides = array<i32>} : memref<4x64x576xf32, #tpu.memory_space<vmem>>, vector<1x64x576xf32>,
    %get3A_254 = arith.constant 0 : index
    %get3A_255 = arith.constant 0 : index
    %get3A_256 = vector.load %arg8[%get3A_254, %get3A_255] : memref<1x1xf32, #tpu.memory_space<vmem>>, vector<1x1xf32>
    %reduce_sum3A_257 = arith.constant dense<0.000000e+00> : vector<1xf32>
    %reduce_sum3A_258 = vector.multi_reduction <add>, %broadcast_in_dim3A_225, %reduce_sum3A_257 [0] : vector<576x1xf32> to vector<1xf32>
    %broadcast_in_dim3A_259 = vector.shape_cast %reduce_sum3A_258 : vector<1xf32> to vector<1x1xf32>
    %add3A_260 = arith.addf %get3A_256, %broadcast_in_dim3A_259 : vector<1x1xf32>
    %swap3A_261 = arith.constant 0 : index
    %swap3A_262 = arith.constant 0 : index
    %swap3A_263 = vector.load %arg8[%swap3A_261, %swap3A_262] : memref<1x1xf32, #tpu.memory_space<vmem>>, vector<1x1xf32>
    tpu.vector_store %arg8[%swap3A_261, %swap3A_262], %add3A_260 {strides = array<i32>} : memref<1x1xf32, #tpu.memory_space<vmem>>, vector<1x1xf32>,
    %get3A_264 = arith.constant 0 : index
    %get3A_265 = arith.constant 0 : index
    %get3A_266 = vector.load %arg10[%get3A_264, %get3A_265] : memref<1024x1xf32, #tpu.memory_space<vmem>>, vector<1024x1xf32>
    %add3A_267 = arith.addf %get3A_266, %dot_general3A_245 : vector<1024x1xf32>
    %swap3A_268 = arith.constant 0 : index
    %swap3A_269 = arith.constant 0 : index
    %swap3A_270 = vector.load %arg10[%swap3A_268, %swap3A_269] : memref<1024x1xf32, #tpu.memory_space<vmem>>, vector<1024x1xf32>
    tpu.vector_store %arg10[%swap3A_268, %swap3A_269], %add3A_267 {strides = array<i32>} : memref<1024x1xf32, #tpu.memory_space<vmem>>, vector<1024x1xf32>,
    %eq3A_271 = arith.constant 3 : i32
    %eq3A_272 = arith.cmpi eq, %arg0, %eq3A_271 : i32
    %convert_element_type3A_273 = arith.extui %eq3A_272 : i1 to i32
    %cond3A_274 = arith.constant 0 : i32
    %cond3A_275 = arith.cmpi ne, %convert_element_type3A_273, %cond3A_274 : i32
    scf.if %cond3A_275 {
      %mul3A_276 = arith.constant 1.843200e+04 : f32
      %mul3A_277 = arith.constant 6.400000e+01 : f32
      %mul3A_278 = arith.mulf %mul3A_276, %mul3A_277 : f32
      %get3A_279 = arith.constant 0 : index
      %get3A_280 = arith.constant 0 : index
      %get3A_281 = vector.load %arg8[%get3A_279, %get3A_280] : memref<1x1xf32, #tpu.memory_space<vmem>>, vector<1x1xf32>
      %get3A_282 = arith.constant 0 : index
      %get3A_283 = arith.constant 0 : index
      %get3A_284 = vector.load %arg5[%get3A_282, %get3A_283] : memref<1x1xf32, #tpu.memory_space<vmem>>, vector<1x1xf32>
      %add3A_285 = arith.addf %get3A_281, %get3A_284 : vector<1x1xf32>
      %mul3A_286 = arith.constant 1.250000e+00 : f32
      %mul3A_287 = vector.broadcast %mul3A_286 : f32 to vector<1x1xf32>
      %mul3A_288 = arith.mulf %mul3A_287, %add3A_285 : vector<1x1xf32>
      %div3A = vector.broadcast %mul3A_278 : f32 to vector<1x1xf32>
      %div3A_289 = arith.divf %mul3A_288, %div3A : vector<1x1xf32>
      %swap3A_290 = arith.constant 0 : index
      %swap3A_291 = arith.constant 0 : index
      %swap3A_292 = vector.load %arg8[%swap3A_290, %swap3A_291] : memref<1x1xf32, #tpu.memory_space<vmem>>, vector<1x1xf32>
      tpu.vector_store %arg8[%swap3A_290, %swap3A_291], %div3A_289 {strides = array<i32>} : memref<1x1xf32, #tpu.memory_space<vmem>>, vector<1x1xf32>,
      %get3A_293 = arith.constant 0 : index
      %get3A_294 = arith.constant 0 : index
      %get3A_295 = vector.load %arg10[%get3A_293, %get3A_294] : memref<1024x1xf32, #tpu.memory_space<vmem>>, vector<1024x1xf32>
      %get3A_296 = arith.constant 0 : index
      %get3A_297 = arith.constant 0 : index
      %get3A_298 = vector.load %arg6[%get3A_296, %get3A_297] : memref<1024x1xf32, #tpu.memory_space<vmem>>, vector<1024x1xf32>
      %add3A_299 = arith.addf %get3A_295, %get3A_298 : vector<1024x1xf32>
      %div3A_300 = arith.constant 1.843200e+04 : f32
      %div3A_301 = vector.broadcast %div3A_300 : f32 to vector<1024x1xf32>
      %div3A_302 = arith.divf %add3A_299, %div3A_301 : vector<1024x1xf32>
      %add3A_303 = arith.constant 1.000000e-10 : f32
      %add3A_304 = vector.broadcast %add3A_303 : f32 to vector<1024x1xf32>
      %add3A_305 = arith.addf %div3A_302, %add3A_304 : vector<1024x1xf32>
      %log3A = math.log %add3A_305 : vector<1024x1xf32>
      %mul3A_306 = arith.mulf %div3A_302, %log3A : vector<1024x1xf32>
      %reduce_sum3A_307 = arith.constant dense<0.000000e+00> : vector<1xf32>
      %reduce_sum3A_308 = vector.multi_reduction <add>, %mul3A_306, %reduce_sum3A_307 [0] : vector<1024x1xf32> to vector<1xf32>
      %broadcast_in_dim3A_309 = vector.shape_cast %reduce_sum3A_308 : vector<1xf32> to vector<1x1xf32>
      %neg3A = arith.constant 0.000000e+00 : f32
      %neg3A_310 = vector.broadcast %neg3A : f32 to vector<1x1xf32>
      %neg3A_311 = arith.subf %neg3A_310, %broadcast_in_dim3A_309 : vector<1x1xf32>
      %exp3A = math.exp %neg3A_311 : vector<1x1xf32>
      %swap3A_312 = arith.constant 0 : index
      %swap3A_313 = arith.constant 0 : index
      %swap3A_314 = vector.load %arg9[%swap3A_312, %swap3A_313] : memref<1x1xf32, #tpu.memory_space<vmem>>, vector<1x1xf32>
      tpu.vector_store %arg9[%swap3A_312, %swap3A_313], %exp3A {strides = array<i32>} : memref<1x1xf32, #tpu.memory_space<vmem>>, vector<1x1xf32>,
    } else {
    }
    return
  }
  func.func @transform_0(%arg0: i32) -> (i32, i32, i32) {
    %add3A = arith.constant 4 : i32
    %add3A_0 = arith.addi %arg0, %add3A : i32
    %c0_i32 = arith.constant 0 : i32
    %c0_i32_1 = arith.constant 0 : i32
    %c0_i32_2 = arith.constant 0 : i32
    return %add3A_0, %c0_i32, %c0_i32_1 : i32, i32, i32
  }
  func.func @transform_1(%arg0: i32) -> (i32, i32) {
    %c0_i32 = arith.constant 0 : i32
    %c0_i32_0 = arith.constant 0 : i32
    %c0_i32_1 = arith.constant 0 : i32
    return %c0_i32, %c0_i32_0 : i32, i32
  }
  func.func @transform_2(%arg0: i32) -> (i32, i32) {
    %c0_i32 = arith.constant 0 : i32
    %c0_i32_0 = arith.constant 0 : i32
    %c0_i32_1 = arith.constant 0 : i32
    return %c0_i32, %c0_i32_0 : i32, i32
  }
  func.func @transform_3(%arg0: i32) -> (i32, i32, i32) {
    %add3A = arith.constant 4 : i32
    %add3A_0 = arith.addi %arg0, %add3A : i32
    %c0_i32 = arith.constant 0 : i32
    %c0_i32_1 = arith.constant 0 : i32
    %c0_i32_2 = arith.constant 0 : i32
    return %add3A_0, %c0_i32, %c0_i32_1 : i32, i32, i32
  }
  func.func @transform_4(%arg0: i32) -> (i32, i32) {
    %c0_i32 = arith.constant 0 : i32
    %c0_i32_0 = arith.constant 0 : i32
    %c0_i32_1 = arith.constant 0 : i32
    return %c0_i32, %c0_i32_0 : i32, i32
  }
  func.func @transform_5(%arg0: i32) -> (i32, i32) {
    %c0_i32 = arith.constant 0 : i32
    %c0_i32_0 = arith.constant 0 : i32
    %c0_i32_1 = arith.constant 0 : i32
    return %c0_i32, %c0_i32_0 : i32, i32
  }
  func.func @transform_6(%arg0: i32) -> (i32, i32, i32) {
    %c0_i32 = arith.constant 0 : i32
    %c0_i32_0 = arith.constant 0 : i32
    %c0_i32_1 = arith.constant 0 : i32
    return %arg0, %c0_i32, %c0_i32_0 : i32, i32, i32
  }
  func.func @transform_7(%arg0: i32) -> (i32, i32) {
    %c0_i32 = arith.constant 0 : i32
    %c0_i32_0 = arith.constant 0 : i32
    %c0_i32_1 = arith.constant 0 : i32
    return %c0_i32, %c0_i32_0 : i32, i32
  }
  func.func @transform_8(%arg0: i32) -> (i32, i32) {
    %c0_i32 = arith.constant 0 : i32
    %c0_i32_0 = arith.constant 0 : i32
    %c0_i32_1 = arith.constant 0 : i32
    return %c0_i32, %c0_i32_0 : i32, i32
  }
  func.func @transform_9(%arg0: i32) -> (i32, i32) {
    %c0_i32 = arith.constant 0 : i32
    %c0_i32_0 = arith.constant 0 : i32
    %c0_i32_1 = arith.constant 0 : i32
    return %c0_i32, %c0_i32_0 : i32, i32
  }
}

</mosaic_0001>

<sc_bundles>
// kernel: kernel.5.cloned.1.call-start
scs
__scs_entry_jumppad:
0x0: {  	(pc) =	sbr.rel $0x88, $3  }
0x1: {  	(tag) =	ssettag $0x0;
	lr =	simm.s32 $0x1  }
0x2: {  	[smem:$0x3F9F] =	sst lr;
	_ =	strace $0xD0000000  }
0x3: {  	_ = 	snop  }
0x4: {  	_ = 	snop  }
0x5: {  	_ = 	snop  }
0x6: {  	_ = 	snop  }
0x7: {  	_ = 	snop  }
__scs_overlays_trampoline_lowered:
0x8: {  	[smem:$0x3FAE] =	sst s0  }
0x9: {  	[smem:$0x3FAF] =	sst s1  }
0xa: {  	[smem:$0x3FB0] =	sst s2  }
0xb: {  	[smem:$0x3FB1] =	sst s3  }
0xc: {  	[smem:$0x3FB2] =	sst s4  }
0xd: {  	[smem:$0x3FB3] =	sst s5  }
0xe: {  	[smem:$0x3FB4] =	sst s6  }
0xf: {  	[smem:$0x3FB5] =	sst s7  }
0x10: {  	[smem:$0x3FB6] =	sst s8  }
0x11: {  	[smem:$0x3FB7] =	sst s9;
	s0 =	simm.s32 @!p0 $0x0  }
0x12: {  	s1 =	sld [smem:$0x3F9D];
	s0 =	simm.s32 @p0 $0x1  }
0x13: {  	[smem:$0x3FB8] =	sst s0;
	s0 =	simm.s32 @!p1 $0x0  }
0x14: {  	s2 =	sld [smem:$0x3F9C];
	s0 =	simm.s32 @p1 $0x1  }
0x15: {  	[smem:$0x3FB9] =	sst s0;
	s0 =	simm.s32 @!p2 $0x0  }
0x16: {  	s3 =	sld [smem:$0x3FDB];
	s0 =	simm.s32 @p2 $0x1  }
0x17: {  	s4 =	simm.s32 $0x1BF5;
	[smem:$0x3FBB] =	sst s0  }
0x18: {  	s0 =	sld [smem:$0x3F9E];
	_ =	swait.ge [sflag:s4], $0x0  }
0x19: {  	s7 =	sld [smem:$0x3F9F]  }
0x1a: {  	s8 =	sadd.s32 $0xFFFFE003, lr  }
0x1b: {  	s9 =	sadd.s32 $0xFFFFFEF7, lr;
	s5 =	simm.s32 $0xFFFFFFFF;
	p2 =	slt.u32 s8, $0xFFFFF086  }
0x1c: {  	p1 =	slt.u32 s9, $0xF7A;
	s5 =	simm.s32 @!p2 $0x0  }
0x1d: {  	s5 =	simm.s32 @p1 $0x1;
	p0 =	seq.s32 s7, s2  }
0x1e: {  	s7 =	smul.u32 @!p0 $0xF7A, s2;
	p2 =	seq.s32 @!p0 s5, $0x0  }
0x1f: {  	s9 =	smul.u32 $0xF7A, s1;
	s8 =	simm.s32 @!p0 $0x1BF5;
	p2 =	por !p2, p0  }
0x20: {  	[sflag:s8] =	ssyncset.s32 @!p0 $0xFFFFF086;
	s6 =	sadd.s32 @!p0 s3, s7;
	s7 =	simm.s32 @!p0 $0x108  }
0x21: {  	s3 =	sadd.s32 s3, s9;
	s6 =	sadd.s32 @!p0 $0x88, s6;
	s7 =	simm.s32 @p2 $0x1082  }
0x22: {  	[simem:s7], [sflag:s8] =	dma.local @!p0 [hbm:s6], $0xF7A  }
0x23: {  	s9 =	sor.u32 $0xD0000000, s2;
	s6 =	simm.s32 $0x108;
	_ =	swait.ge @!p0 [sflag:s8], $0x0  }
0x24: {  	s3 =	sadd.s32 $0x88, s3;
	s6 =	simm.s32 @!p1 $0x1082;
	[sflag:s4] =	ssyncset.s32 $0xFFFFF086  }
0x25: {  	[simem:s6], [sflag:s4] =	dma.local [hbm:s3], $0xF7A  }
0x26: {  	[smem:$0x3F9F] =	sst s1;
	(tag) =	ssettag s2;
	_ =	strace s9  }
0x27: {  	s1 =	sld [smem:$0x3FAF]  }
0x28: {  	s2 =	sld [smem:$0x3FB0]  }
0x29: {  	s4 =	sld [smem:$0x3FB2]  }
0x2a: {  	p0 =	seq.s32 s5, $0x0;
	s5 =	sld [smem:$0x3FB3]  }
0x2b: {  	s6 =	sld [smem:$0x3FB4]  }
0x2c: {  	s7 =	sld [smem:$0x3FB5]  }
0x2d: {  	s3 =	simm.s32 $0x108;
	s8 =	sld [smem:$0x3FB6]  }
0x2e: {  	s3 =	simm.s32 @!p0 $0x1082;
	s9 =	sld [smem:$0x3FB7]  }
0x2f: {  	lr =	sadd.s32 s0, s3;
	s0 =	sld [smem:$0x3FAE]  }
0x30: {  	s3 =	sld [smem:$0x3FB1]  }
0x31: {  	[smem:$0x3FBA] =	sst s10  }
0x32: {  	s10 =	sld [smem:$0x3FB8];
	_ =	sdelay $0x3  }
0x33: {  	p0 =	seq.s32 s10, $0x1;
	s10 =	sld [smem:$0x3FBA];
	_ =	sdelay $0x3  }
0x34: {  	[smem:$0x3FBA] =	sst s10  }
0x35: {  	s10 =	sld [smem:$0x3FB9];
	_ =	sdelay $0x3  }
0x36: {  	p1 =	seq.s32 s10, $0x1;
	s10 =	sld [smem:$0x3FBA];
	_ =	sdelay $0x3  }
0x37: {  	[smem:$0x3FBA] =	sst s10  }
0x38: {  	s10 =	sld [smem:$0x3FBB]  }
0x39: {  	_ = 	snop;
	(pc) =	sbr.ind lr, $3  }
0x3a: {  	_ = 	snop  }
0x3b: {  	_ = 	snop  }
0x3c: {  	p2 =	seq.s32 s10, $0x1;
	s10 =	sld [smem:$0x3FBA]  }
0x3d: {  	_ =	shalt  }
0x3e: {  	_ =	shalt  }
0x3f: {  	_ =	shalt  }
0x40: {  	_ =	shalt  }
0x41: {  	_ =	shalt  }
0x42: {  	_ =	shalt  }
0x43: {  	_ =	shalt  }
0x44: {  	_ =	shalt  }
0x45: {  	_ =	shalt  }
0x46: {  	_ =	shalt  }
0x47: {  	_ =	shalt  }
0x48: {  	_ =	shalt  }
0x49: {  	_ =	shalt  }
0x4a: {  	_ =	shalt  }
0x4b: {  	_ =	shalt  }
0x4c: {  	_ =	shalt  }
0x4d: {  	_ =	shalt  }
0x4e: {  	_ =	shalt  }
0x4f: {  	_ =	shalt  }
0x50: {  	_ =	shalt  }
0x51: {  	_ =	shalt  }
0x52: {  	_ =	shalt  }
0x53: {  	_ =	shalt  }
0x54: {  	_ =	shalt  }
0x55: {  	_ =	shalt  }
0x56: {  	_ =	shalt  }
0x57: {  	_ =	shalt  }
0x58: {  	_ =	shalt  }
0x59: {  	_ =	shalt  }
0x5a: {  	_ =	shalt  }
0x5b: {  	_ =	shalt  }
0x5c: {  	_ =	shalt  }
0x5d: {  	_ =	shalt  }
0x5e: {  	_ =	shalt  }
0x5f: {  	_ =	shalt  }
0x60: {  	_ =	shalt  }
0x61: {  	_ =	shalt  }
0x62: {  	_ =	shalt  }
0x63: {  	_ =	shalt  }
0x64: {  	_ =	shalt  }
0x65: {  	_ =	shalt  }
0x66: {  	_ =	shalt  }
0x67: {  	_ =	shalt  }
0x68: {  	_ =	shalt  }
0x69: {  	_ =	shalt  }
0x6a: {  	_ =	shalt  }
0x6b: {  	_ =	shalt  }
0x6c: {  	_ =	shalt  }
0x6d: {  	_ =	shalt  }
0x6e: {  	_ =	shalt  }
0x6f: {  	_ =	shalt  }
0x70: {  	_ =	shalt  }
0x71: {  	_ =	shalt  }
0x72: {  	_ =	shalt  }
0x73: {  	_ =	shalt  }
0x74: {  	_ =	shalt  }
0x75: {  	_ =	shalt  }
0x76: {  	_ =	shalt  }
0x77: {  	_ =	shalt  }
0x78: {  	_ =	shalt  }
0x79: {  	_ =	shalt  }
0x7a: {  	_ =	shalt  }
0x7b: {  	_ =	shalt  }
0x7c: {  	_ =	shalt  }
0x7d: {  	_ =	shalt  }
0x7e: {  	_ =	shalt  }
0x7f: {  	_ =	shalt  }
0x80: {  	_ =	shalt  }
0x81: {  	_ =	shalt  }
0x82: {  	_ =	shalt  }
0x83: {  	_ =	shalt  }
0x84: {  	_ =	shalt  }
0x85: {  	_ =	shalt  }
0x86: {  	_ =	shalt  }
0x87: {  	_ =	shalt  }
.Lfunc_end0:
.L_simem_size_0:
called_computation_lowered:
.L_overlay_start_0:
0x88: {  	s2 =	sld [smem:$0x3FD9]  }
0x89: {  	s3 =	sld [smem:$0x3FFE];
	_ =	sdelay $0x1  }
0x8a: {  	s1 =	srdreg.scid  }
0x8b: {  	s0 =	sand.u32 $0x1, s1  }
0x8c: {  	s14 =	sshll.u32 s0, $0xA;
	s2 =	sadd.s32 s3, s2  }
0x8d: {  	s2 =	sadd.s32 s2, s14  }
0x8e: {  	[smem:$0x3FC6] =	sst s2  }
0x8f: {  	_ = 	snop  }
0x90: {  	s2 =	sld [smem:$0x3FD0];
	_ =	sdelay $0x2  }
0x91: {  	s15 =	simm.s32 $0xA;
	s4 =	simm.s32 $0x10  }
0x92: {  	[smem:s4], [sflag:s15] =	dma.local [hbm:s2], $0x1  }
0x93: {  	_ =	swait.eq [sflag:s15], $0x1  }
0x94: {  	[sflag:s15] =	ssyncset.done $0x0  }
0x95: {  	[sflag:s15] =	ssyncadd.s32 $0xFFFFFFFF  }
0x96: {  	s16 =	sld [smem:$0x11];
	(tm) =	ssettm $0x1  }
0x97: {  	s17 =	sld [smem:$0x3FFB];
	_ =	sdelay $0x3  }
0x98: {  	_ =	strace s17  }
0x99: {  	s3 =	sld [smem:$0x3FFC];
	_ =	sdelay $0x3  }
0x9a: {  	_ =	strace s3  }
0x9b: {  	s3 =	sld [smem:$0x3FFD];
	_ =	sdelay $0x3  }
0x9c: {  	_ =	strace s3  }
0x9d: {  	_ =	strace $0x8FFFFFFF  }
0x9e: {  	s18 =	sld [smem:$0x3FDB];
	_ =	sdelay $0x1  }
0x9f: {  	s19 =	simm.s32 $_scs_section_size  }
0xa0: {  	s5 =	simm.s32 $_size__tile_overlayer_lowered;
	s6 =	simm.s32 $_tile_overlayer_lowered  }
0xa1: {  	s22 =	simm.s32 $0x1BFF;
	s21 =	sshll.u32 s6, $0x1;
	s3 =	sadd.s32 s19, s18  }
0xa2: {  	s7 =	simm.s32 $0x0;
	s20 =	sshll.u32 s5, $0x1;
	s5 =	sadd.s32 s21, s3  }
0xa3: {  	[timem:s7], [sflag:s22] =	dma.local [hbm:s5], s20  }
0xa4: {  	_ =	swait.ge [sflag:s22], s20  }
0xa5: {  	s4 =	ssub.s32 $0x0, s20;
	[sflag:s22] =	ssyncset.done $0x0  }
0xa6: {  	[sflag:s22] =	ssyncadd.s32 s4;
	_ =	sdelay $0x1  }
0xa7: {  	s23 =	simm.s32 $0x1B8B  }
0xa8: {  	_ =	swait.ge [sflag:s23], $0x1  }
0xa9: {  	[sflag:s23] =	ssyncset.done $0x0  }
0xaa: {  	s25 =	simm.s32 $0x1B8E;
	s24 =	sld [smem:$0x3FFE];
	[sflag:s23] =	ssyncadd.s32 $0xFFFFFFFF  }
0xab: {  	s26 =	simm.s32 $execute0_lowered;
	[smem:$0x3FD2] =	sst s25  }
0xac: {  	s5 =	sshll.u32 s26, $0x1;
	_ =	strace $0x80000046;
	[dreg:$0x1] =	wrdreg $0xFFFFFFFF  }
0xad: {  	s28 =	simm.s32 $_size_execute0_lowered;
	s3 =	sadd.s32 s3, s5;
	[dreg:$0x0] =	wrdreg $0x0  }
0xae: {  	s5 =	sshll.u32 s28, $0x1;
	[dreg:$0x2] =	wrdreg s3  }
0xaf: {  	[dreg:$0x3] =	wrdreg s5  }
0xb0: {  	[dreg:$0x4] =	wrdreg $0xC0  }
0xb1: {  	_ =	task [dreg:s7], $0x5FFFF  }
0xb2: {  	[dreg:$0x1] =	wrdreg $0xFFFFFFFF  }
0xb3: {  	[dreg:$0x0] =	wrdreg $0x60  }
0xb4: {  	[dreg:$0x2] =	wrdreg s24  }
0xb5: {  	[dreg:$0x3] =	wrdreg s16  }
0xb6: {  	[dreg:$0x4] =	wrdreg $0x9  }
0xb7: {  	_ =	task.clear_ibuf [dreg:s7], $0x5FFFF;
	_ =	strace $0x90000046  }
0xb8: {  	s29 =	simm.s32 $0x9;
	_ =	strace $0x80000048  }
0xb9: {  	_ =	swait.ge [sflag:s29], $0x1  }
0xba: {  	[sflag:s29] =	ssyncadd.s32 $0xFFFFFFFF  }
0xbb: {  	_ =	strace $0x90000048  }
0xbc: {  	_ =	sfence  }
0xbd: {  	s30 =	sld [smem:$0x0];
	_ =	sdelay $0x2  }
0xbe: {  	s31 =	sshll.u32 s1, $0xD;
	s1 =	sshrl.u32 s1, $0x2  }
0xbf: {  	s3 =	sand.u32 $0x4000, s31;
	s1 =	sadd.s32 s1, s30  }
0xc0: {  	s0 =	sor.u32 s3, s0;
	s1 =	sshll.u32 s1, $0x11  }
0xc1: {  	s0 =	sor.u32 s1, s0  }
0xc2: {  	s0 =	sadd.s32 $0x8F2B, s0  }
0xc3: {  	[sflag:s0] =	ssyncadd.remote.s32 $0x1  }
0xc4: {  	_ =	sfence.sel $0xFFFF  }
0xc5: {  	[dreg:$0x0] =	wrdreg $0xFFFFFFFF;
	(pc) =	sbr.abs _section_cstart, $3  }
0xc6: {  	[dreg:$0x1] =	wrdreg $0xFFFFFFFF  }
0xc7: {  	_ =	task.clear_ibuf [dreg:s7], $0x2FFFF;
	_ =	strace $0x9FFFFFFF  }
0xc8: {  	(tm) =	ssettm $0x7FFFFFFF  }
0xc9: {  	_ =	shalt  }
tec
execute0_lowered:
.L_overlay_start_1:
0x0: {  	(tag) =	ssettag $0x1  }
0x1: {  	s1 =	stileid.u32  }
0x2: {  	p0 =	sgt.u32 s1, $0x7  }
.Ltmp0:
0x3: {  	_ = 	snop;
	(pc) =	sbr.rel @p0 .LBB2_7-.Ltmp0, $4  }
0x4: {  	s4 =	rddreg [dreg:$0x0]  }
0x5: {  	s5 =	rddreg [dreg:$0x1];
	s2 =	simm.s32 $0x0  }
0x6: {  	[smem:$0x7FF] =	sst s2  }
0x7: {  	s0 =	rddreg [dreg:$0x2];
	_ =	strace $0x80000047  }
0x8: {  	s3 =	srdreg.scid  }
0x9: {  	s6 =	sshll.u32 s1, $0x1;
	s3 =	sand.u32 $0x1, s3  }
0xa: {  	s6 =	sor.u32 s3, s6  }
0xb: {  	s8 =	ssub.s32 $0x2, s3;
	s7 =	smul.u32 $0x1400, s6  }
0xc: {  	s10 =	sadd.s32 $0x2600, s4;
	s9 =	sshrl.u32 s8, $0x1;
	s6 =	smul.u32 $0x50, s6  }
0xd: {  	s3 =	sadd.s32 $0x400, s4;
	s31 =	ssub.s32 s8, s9;
	s8 =	simm.s32 $0x280  }
0xe: {  	s9 =	simm.s32 $0x10280;
	s4 =	sadd.s32 s5, s7;
	s5 =	sadd.s32 s10, s6  }
0xf: {  	s6 =	smax.u32 s31, $0x1;
	s7 =	simm.s32 $0x1;
	s10 =	simm.s32 $0x0  }
.LBB2_2:
0x10: {  	s11 =	simm.s32 $0x0  }
0x11: {  	[tilespmem:s11], [sflag:$0x1] =	stream.linear.gather [hbm4b:s5+s11], $0x280, $0x38;
	[tilespmem:$0x1A280] =	vst v63  }
0x12: {  	_ =	swait.ge [sflag:s7], $0x280  }
0x13: {  	[sflag:s7] =	ssyncset.done $0x0  }
0x14: {  	[sflag:s7] =	ssyncadd.s32 $0xFFFFFD80  }
0x15: {  	[tilespmem:s8], [sflag:$0x1] =	stream.linear.gather [hbm4b:s3+s11], $0x10000, $0x38;
	[tilespmem:$0x1A280] =	vst v63  }
0x16: {  	_ =	swait.ge [sflag:s7], $0x10000  }
0x17: {  	[sflag:s7] =	ssyncset.done $0x0  }
0x18: {  	[sflag:s7] =	ssyncadd.s32 $0xFFFF0000  }
.LBB2_3:
0x19: {  	s12 =	sshll.u32 s11, $0x4  }
0x1a: {  	v1 =	vld [tilespmem:s12+$0x0];
	_ =	sdelay $0x5  }
0x1b: {  	s13 =	sshll.u32 s11, $0x7;
	s14 =	simm.s32 $0x0;
	s18 =	simm.s32 $0xE80  }
0x1c: {  	s16 =	simm.s32 $0x4;
	s29 =	simm.s32 $0x0;
	s19 =	simm.s32 $0x80  }
0x1d: {  	s21 =	simm.s32 $0x100;
	s14 =	smul.u32 $0x5000, s14;
	s15 =	sand.u32 $0x70, s12;
	v6 =	vld.idx.msk [tilespmem:v1+s18+$0xFFFFFC00], $0xffff  }
0x1e: {  	s22 =	simm.s32 $0x0;
	s13 =	sand.u32 $0x1C00, s13;
	s12 =	simm.s32 $0x180;
	v0 =	vmov s15;
	v5 =	vld.idx.msk [tilespmem:v1+s18+$0xFFFFF800], $0xffff  }
0x1f: {  	s23 =	sand.u32 $0x280, s19;
	s13 =	sor.u32 $0x10280, s13;
	s14 =	sshra.s32 s14, $0x2;
	v4 =	vld.idx.msk [tilespmem:v1+s18+$0x0], $0xffff  }
0x20: {  	s15 =	smul.u32 $0x5000, s29;
	s20 =	sadd.s32 s14, s13;
	s14 =	simm.s32 $0x1E80;
	v3 =	vld.idx.msk [tilespmem:v1+s18+$0xFFFFF400], $0xffff  }
0x21: {  	s30 =	sand.u32 $0x300, s21;
	s31 =	sand.u32 $0x200, s22;
	s28 =	sand.u32 $0x380, s12;
	v2 =	vld.idx.msk [tilespmem:v1+s14+$0xFFFFFC00], $0xffff  }
0x22: {  	s15 =	sshra.s32 s15, $0x2;
	s17 =	sadd.s32 s28, s20;
	s21 =	sadd.s32 s30, s20  }
0x23: {  	s15 =	sadd.s32 s15, s13;
	s19 =	sadd.s32 s31, s20;
	s18 =	sadd.s32 s23, s20;
	[tilespmem:v0+s21+$0x0 ss:$0x1] =	vst.idx.msk $0xffff, v6  }
.LBB2_4:
0x24: {  	s16 =	sadd.s32 $0x4, s16;
	v6 =	vld.idx.msk [tilespmem:v1+s14+$0xFFFFF800], $0xffff;
	[tilespmem:v0+s17+$0x0 ss:$0x1] =	vst.idx.msk $0xffff, v4;
	s12 =	sadd.s32 $0x200, s12  }
0x25: {  	s20 =	sshrl.u32 s16, $0x3;
	p0 =	slt.u32 s16, $0x3C;
	v4 =	vld.idx.msk [tilespmem:v1+s14+$0x0], $0xffff;
	s17 =	sand.u32 $0x380, s12;
	[tilespmem:v0+s19+$0x0 ss:$0x1] =	vst.idx.msk $0xffff, v3  }
.Ltmp1:
0x26: {  	v3 =	vld.idx.msk [tilespmem:v1+s14+$0xFFFFF400], $0xffff;
	s17 =	sadd.s32 s17, s15;
	s14 =	sadd.s32 $0x1000, s14;
	[tilespmem:v0+s18+$0x0 ss:$0x1] =	vst.idx.msk $0xffff, v5;
	v5 =	vmov v2;
	(pc) =	sbr.rel @p0 .LBB2_4-.Ltmp1, $4  }
0x27: {  	s19 =	sadd.s32 $0xFFFFFF00, s12;
	s18 =	smul.u32 $0x5000, s20;
	s20 =	sadd.s32 $0xFFFFFF80, s12;
	v2 =	vld.idx.msk [tilespmem:v1+s14+$0xFFFFFC00], $0xffff  }
0x28: {  	s21 =	sadd.s32 $0xFFFFFE80, s12;
	s22 =	sand.u32 $0x280, s19;
	s19 =	sand.u32 $0x300, s20  }
0x29: {  	s20 =	sshra.s32 s18, $0x2;
	s18 =	sand.u32 $0x200, s21;
	s21 =	sadd.s32 s19, s15  }
0x2a: {  	s19 =	sadd.s32 s18, s15;
	s18 =	sadd.s32 s22, s15;
	s15 =	sadd.s32 s20, s13;
	[tilespmem:v0+s21+$0x0 ss:$0x1] =	vst.idx.msk $0xffff, v5;
	v5 =	vmov v6  }
0x2b: {  	_ =	sdelay $0x3  }
0x2c: {  	s12 =	sadd.s32 $0x200, s12;
	v6 =	vld.idx.msk [tilespmem:v1+s14+$0x0], $0xffff  }
0x2d: {  	[tilespmem:v0+s17+$0x0 ss:$0x1] =	vst.idx.msk $0xffff, v4;
	v62 =	vld.idx.msk [tilespmem:v1+s14+$0xFFFFF400], $0xffff;
	s11 =	sadd.s32 $0x1, s11;
	s13 =	sadd.s32 $0xFFFFFF80, s12  }
0x2e: {  	v63 =	vld.idx.msk [tilespmem:v1+s14+$0xFFFFF800], $0xffff;
	[tilespmem:v0+s19+$0x0 ss:$0x1] =	vst.idx.msk $0xffff, v3;
	s30 =	sand.u32 $0x380, s12;
	p0 =	sne.s32 s11, $0x24;
	s13 =	sand.u32 $0x300, s13  }
.Ltmp2:
0x2f: {  	[tilespmem:v0+s18+$0x0 ss:$0x1] =	vst.idx.msk $0xffff, v5;
	s16 =	sadd.s32 $0xFFFFFE80, s12;
	s13 =	sadd.s32 s13, s15;
	(pc) =	sbr.rel @p0 .LBB2_3-.Ltmp2, $4  }
0x30: {  	s12 =	sadd.s32 $0xFFFFFF00, s12;
	s14 =	sadd.s32 s30, s15;
	s16 =	sand.u32 $0x200, s16;
	[tilespmem:v0+s13+$0x0 ss:$0x1] =	vst.idx.msk $0xffff, v2  }
0x31: {  	s12 =	sand.u32 $0x280, s12;
	s31 =	sadd.s32 s16, s15;
	[tilespmem:v0+s14+$0x0 ss:$0x1] =	vst.idx.msk $0xffff, v6  }
0x32: {  	s12 =	sadd.s32 s12, s15;
	[tilespmem:v0+s31+$0x0 ss:$0x1] =	vst.idx.msk $0xffff, v62  }
0x33: {  	[tilespmem:v0+s12+$0x0 ss:$0x1] =	vst.idx.msk $0xffff, v63  }
0x34: {  	s10 =	sadd.s32 $0x1, s10  }
0x35: {  	p0 =	sne.s32 s10, s6  }
.Ltmp3:
0x36: {  	_ = 	snop;
	(pc) =	sbr.rel @p0 .LBB2_2-.Ltmp3, $4  }
0x37: {  	[hbm4b:s4+s2] =	stream.linear.scatter [tilespmem:s9], [sflag:$0x1], $0xA000, $0x38;
	[tilespmem:$0x1A280] =	vst v63  }
0x38: {  	_ =	swait.ge [sflag:s7], $0xA000  }
0x39: {  	[sflag:s7] =	ssyncset.done $0x0  }
0x3a: {  	[sflag:s7] =	ssyncadd.s32 $0xFFFF6000  }
.LBB2_7:
0x3b: {  	_ =	sfence.sel $0x180000  }
0x3c: {  	[bflag:$0x0] =	sbarrier.arrive $0xFFFF  }
0x3d: {  	p0 =	sne.s32 s1, $0x0;
	_ =	strace $0x90000047  }
0x3e: {  	s0 =	sadd.s32 @!p0 $0x100000, s0;
	[bflag:$0x2] =	sbarrier.arrive $0xFFFF  }
0x3f: {  	[sflag:s0] =	ssyncadd.tile.s32 @!p0 $0x1;
	_ =	shalt  }
.Lfunc_end2:
_tile_overlayer_lowered:
.L_overlay_start_2:
0x40: {  	(tag) =	ssettag $0x2  }
0x41: {  	s0 =	rddreg [dreg:$0x0];
	s2 =	stileid.u32  }
0x42: {  	s1 =	rddreg [dreg:$0x1];
	p0 =	sne.s32 s2, $0x0  }
0x43: {  	s3 =	rddreg [dreg:$0x2];
	[bflag:$0x3] =	sbarrier.arrive $0xFFFF;
	s2 =	simm.s32 @!p0 $0x1C01  }
0x44: {  	[timem:s3], [sflag:s2] =	dma.local @!p0 [hbm:s0], s1  }
0x45: {  	s0 =	simm.s32 @!p0 $0x1  }
0x46: {  	_ =	swait.ge @!p0 [sflag:s0], s1  }
0x47: {  	s1 =	ssub.s32 @!p0 $0x0, s1;
	[sflag:s0] =	ssyncset.done @!p0 $0x0  }
0x48: {  	[sflag:s0] =	ssyncadd.s32 @!p0 s1  }
0x49: {  	[bflag:$0x3] =	sbarrier.arrive $0xFFFF  }
0x4a: {  	_ =	shalt  }

</sc_bundles>
